<compile_context>
chip_gen: v7x
topology: tpu7x:2x2x1
jax: 0.10.2.dev20260603
libtpu: 0.0.44.dev20260713+nightly
codegen_flags: <defaults>
</compile_context>

<pallas_src>
import jax
import jax.numpy as jnp
from jax import lax
from jax.experimental import pallas as pl
from jax.experimental.pallas import tpu as pltpu
from jax.experimental.pallas import tpu_sc as plsc

DTIME_MAX = 10.0

NC = 2
NS = 16
NW = NC * NS
LANES = 16

E_DIM = 100
RB = 80
NG = RB // LANES
CH = 4
NCH = E_DIM // CH
NBUF = 4


def _sc_body(u_hbm, t_hbm, e_hbm, rate_hbm, out_hbm,
             u0_v, t0_v, e0_v, r0_v, u1_v, t1_v, e1_v, r1_v,
             u2_v, t2_v, e2_v, r2_v, u3_v, t3_v, e3_v, r3_v,
             out_q, sem0, sem1, sem2, sem3, osem):
    N = u_hbm.shape[0]
    RW = N // NW
    NB = RW // RB
    QR = NBUF * RB

    wid = lax.axis_index("s") * NC + lax.axis_index("c")
    base_w = wid * RW

    lane_iota = lax.iota(jnp.int32, LANES)

    bufs = ((u0_v, t0_v, e0_v, r0_v, sem0),
            (u1_v, t1_v, e1_v, r1_v, sem1),
            (u2_v, t2_v, e2_v, r2_v, sem2),
            (u3_v, t3_v, e3_v, r3_v, sem3))

    def issue(b, uv, tv, ev, rv, sem):
        r0 = base_w + b * RB
        pltpu.make_async_copy(u_hbm.at[pl.ds(r0, RB), :], uv, sem).start()
        pltpu.make_async_copy(t_hbm.at[pl.ds(r0, RB), :], tv, sem).start()
        pltpu.make_async_copy(e_hbm.at[pl.ds(r0, RB), :], ev, sem).start()
        pltpu.make_async_copy(rate_hbm.at[pl.ds(r0, RB)], rv, sem).start()

    def drain(uv, tv, ev, rv, sem):
        pltpu.make_async_copy(u_hbm.at[pl.ds(0, RB), :], uv, sem).wait()
        pltpu.make_async_copy(t_hbm.at[pl.ds(0, RB), :], tv, sem).wait()
        pltpu.make_async_copy(e_hbm.at[pl.ds(0, RB), :], ev, sem).wait()
        pltpu.make_async_copy(rate_hbm.at[pl.ds(0, RB)], rv, sem).wait()

    def compute(uv, tv, ev, rv, oloc):
        def group_body(g, _):
            g16 = g * LANES
            rows16 = g16 + lane_iota
            rate_g = rv[pl.ds(g16, LANES)]

            def cond(carry):
                i, km = carry
                return (i < NCH) & (jnp.max(km) >= E_DIM)

            def body(carry):
                i, km = carry
                e0 = i * CH
                for j in range(CH):
                    col = jnp.broadcast_to(e0 + j, (LANES,))
                    uc = plsc.load_gather(uv, [rows16, col])
                    tc = plsc.load_gather(tv, [rows16, col])
                    crit = uc * rate_g / tc
                    acc = crit < 1.0
                    km = jnp.minimum(
                        km, jnp.where(acc, col,
                                      jnp.full((LANES,), E_DIM, jnp.int32)))
                return i + 1, km

            km = lax.while_loop(
                cond, body,
                (jnp.int32(0), jnp.full((LANES,), E_DIM, jnp.int32)))[1]

            val = plsc.load_gather(
                ev, [rows16,
                     jnp.minimum(km, jnp.full((LANES,), E_DIM - 1, jnp.int32))])
            out_q[pl.ds(oloc + g16, LANES)] = jnp.where(
                km >= E_DIM, jnp.full((LANES,), DTIME_MAX, jnp.float32), val)
            return _

        lax.fori_loop(0, NG, group_body, None)

    NQ = NB // NBUF
    for k in range(NBUF):
        issue(k, *bufs[k])

    def out_wait():
        pltpu.make_async_copy(
            out_q, out_hbm.at[pl.ds(base_w, QR)], osem).wait()

    def quad_body(q, _):
        @pl.when(q > 0)
        def _wait_prev_out():
            out_wait()

        b0 = NBUF * q
        for k in range(NBUF):
            bk = b0 + k
            uv, tv, ev, rv, sem = bufs[k]
            drain(uv, tv, ev, rv, sem)
            compute(uv, tv, ev, rv, k * RB)

            @pl.when(bk + NBUF < NB)
            def _issue_next():
                issue(bk + NBUF, uv, tv, ev, rv, sem)

        pltpu.make_async_copy(
            out_q, out_hbm.at[pl.ds(base_w + b0 * RB, QR)], osem).start()
        return None

    lax.fori_loop(0, NQ, quad_body, None)

    out_wait()
    uv, tv, ev, rv, sem = bufs[0]
    drain(uv, tv, ev, rv, sem)
    compute(uv, tv, ev, rv, 0)
    pltpu.sync_copy(out_q.at[pl.ds(0, RB)],
                    out_hbm.at[pl.ds(base_w + (NB - 1) * RB, RB)])


def kernel(unif_numbers, sample_rate, total_intensities, exp_numbers):
    B, L, S, E = unif_numbers.shape
    N = B * L * S
    u2 = unif_numbers.transpose(0, 2, 1, 3).reshape(N, E)
    t2 = total_intensities.transpose(0, 2, 1, 3).reshape(N, E)
    e2 = exp_numbers.transpose(0, 2, 1, 3).reshape(N, E)
    r1 = jnp.broadcast_to(sample_rate[:, None, :], (B, S, L)).reshape(N)

    slab = pltpu.VMEM((RB, E_DIM), jnp.float32)
    rslab = pltpu.VMEM((RB,), jnp.float32)
    mesh = plsc.VectorSubcoreMesh(core_axis_name="c", subcore_axis_name="s")
    run = pl.kernel(
        _sc_body,
        out_type=jax.ShapeDtypeStruct((N,), jnp.float32),
        mesh=mesh,
        scratch_types=[
            slab, slab, slab, rslab,
            slab, slab, slab, rslab,
            slab, slab, slab, rslab,
            slab, slab, slab, rslab,
            pltpu.VMEM((NBUF * RB,), jnp.float32),
            pltpu.SemaphoreType.DMA,
            pltpu.SemaphoreType.DMA,
            pltpu.SemaphoreType.DMA,
            pltpu.SemaphoreType.DMA,
            pltpu.SemaphoreType.DMA,
        ],
        compiler_params=pltpu.CompilerParams(needs_layout_passes=False),
    )
    out = run(u2, t2, e2, r1)
    return out.reshape(B, S, L).transpose(0, 2, 1)

# --- scband reference (transcript-rebuilt; emitter-appended) ---
"""Pipeline reference for scband-event-sampler-80564996539201 (READ-ONLY COPY).

The authoritative reference and input builder live on the scoring server;
editing this copy changes nothing except your own understanding.
"""

import jax, jax.numpy as jnp
import numpy as np

DTIME_MAX = 10.0


def setup_inputs(seed: int = 0) -> dict:
    key = jax.random.key(seed)
    k1, k2, k3, k4 = jax.random.split(key, 4)
    B, L, S, E = 32, 200, 50, 100
    unif_numbers = jax.random.uniform(k1, (B, L, S, E), dtype=jnp.float32)
    # sample_rate / total_intensities are intensities: keep strictly positive
    sample_rate = jax.random.uniform(k2, (B, L), dtype=jnp.float32) + 0.5
    total_intensities = jax.random.uniform(k3, (B, L, S, E), dtype=jnp.float32) + 0.1
    exp_numbers = jax.random.uniform(k4, (B, L, S, E), dtype=jnp.float32)
    return {
        "unif_numbers": unif_numbers,
        "sample_rate": sample_rate,
        "total_intensities": total_intensities,
        "exp_numbers": exp_numbers,
    }


def reference(unif_numbers, sample_rate, total_intensities, exp_numbers):
    # Faithful port of EventSampler.sample_accept (the core thinning accept kernel).
    # criterion: [B, L, num_sample, num_exp]
    criterion = unif_numbers * sample_rate[:, :, None, None] / total_intensities
    masked_crit_less_than_1 = jnp.where(criterion < 1, 1, 0)
    # all exp draws rejected -> True
    non_accepted_filter = jnp.all(1 - masked_crit_less_than_1, axis=3)
    # index of first accepted exp draw (argmax picks first 1 from left)
    first_accepted_indexer = jnp.argmax(masked_crit_less_than_1, axis=3)
    # gather sampled delta times at first accepted index
    result_non_accepted_unfiltered = jnp.take_along_axis(
        exp_numbers, first_accepted_indexer[..., None], axis=3
    )
    result = jnp.where(
        non_accepted_filter[..., None],
        jnp.asarray(DTIME_MAX, dtype=jnp.float32),
        result_non_accepted_unfiltered,
    )
    result = jnp.squeeze(result, axis=-1)
    return result

if __name__ == "__main__":
    import jax
    _d = setup_inputs()
    print(jax.jit(kernel)(*tuple(_d.values())))

</pallas_src>

<mosaic_0001>
#map = affine_map<(d0, d1) -> (0, 0)>
#map1 = affine_map<(d0, d1) -> (0)>
module attributes {stable_mosaic.version = 14 : i64} {
  func.func @_sc_body(%arg0: i32, %arg1: i32, %arg2: memref<320000x100xf32, #tpu.memory_space<hbm>>, %arg3: memref<320000x100xf32, #tpu.memory_space<hbm>>, %arg4: memref<320000x100xf32, #tpu.memory_space<hbm>>, %arg5: memref<320000xf32, #tpu.memory_space<hbm>>, %arg6: memref<320000xf32, #tpu.memory_space<hbm>>, %arg7: memref<80x100xf32, #tpu.memory_space<vmem>>, %arg8: memref<80x100xf32, #tpu.memory_space<vmem>>, %arg9: memref<80x100xf32, #tpu.memory_space<vmem>>, %arg10: memref<80xf32, #tpu.memory_space<vmem>>, %arg11: memref<80x100xf32, #tpu.memory_space<vmem>>, %arg12: memref<80x100xf32, #tpu.memory_space<vmem>>, %arg13: memref<80x100xf32, #tpu.memory_space<vmem>>, %arg14: memref<80xf32, #tpu.memory_space<vmem>>, %arg15: memref<80x100xf32, #tpu.memory_space<vmem>>, %arg16: memref<80x100xf32, #tpu.memory_space<vmem>>, %arg17: memref<80x100xf32, #tpu.memory_space<vmem>>, %arg18: memref<80xf32, #tpu.memory_space<vmem>>, %arg19: memref<80x100xf32, #tpu.memory_space<vmem>>, %arg20: memref<80x100xf32, #tpu.memory_space<vmem>>, %arg21: memref<80x100xf32, #tpu.memory_space<vmem>>, %arg22: memref<80xf32, #tpu.memory_space<vmem>>, %arg23: memref<320xf32, #tpu.memory_space<vmem>>, %arg24: memref<!tpu.dma_semaphore, #tpu.memory_space<semaphore_mem>>, %arg25: memref<!tpu.dma_semaphore, #tpu.memory_space<semaphore_mem>>, %arg26: memref<!tpu.dma_semaphore, #tpu.memory_space<semaphore_mem>>, %arg27: memref<!tpu.dma_semaphore, #tpu.memory_space<semaphore_mem>>, %arg28: memref<!tpu.dma_semaphore, #tpu.memory_space<semaphore_mem>>) attributes {dimension_semantics = [#tpu.dimension_semantics<core_parallel>, #tpu.dimension_semantics<subcore_parallel>], iteration_bounds = array<i64: 2, 16>, scalar_prefetch = 0 : i64, scratch_operands = 22 : i64, tpu.core_type = #tpu.core_type<sc_vector_subcore>, window_params = [{transform_indices = #map}, {transform_indices = #map}, {transform_indices = #map}, {transform_indices = #map1}, {transform_indices = #map1}]} {
    %mul3A = arith.constant 2 : i32
    %mul3A_0 = arith.muli %arg1, %mul3A : i32
    %add3A = arith.addi %mul3A_0, %arg0 : i32
    %mul3A_1 = arith.constant 10000 : i32
    %mul3A_2 = arith.muli %add3A, %mul3A_1 : i32
    %iota3A = tpu.iota {dimensions = array<i32: 0>} : vector<16xi32>
    %add3A_3 = arith.constant 0 : i32
    %add3A_4 = arith.addi %mul3A_2, %add3A_3 : i32
    %dma_start3A = arith.constant 0 : i32
    %dma_start3A_5 = tpu.memref_slice %arg2[%add3A_4, %dma_start3A] : memref<320000x100xf32, #tpu.memory_space<hbm>> -> memref<80x100xf32, #tpu.memory_space<hbm>>
    %dma_start3A_6 = arith.constant 0 : i32
    %dma_start3A_7 = tpu.memref_slice %arg2[%add3A_4, %dma_start3A_6] : memref<320000x100xf32, #tpu.memory_space<hbm>> -> memref<80x100xf32, #tpu.memory_space<hbm>>
    tpu.enqueue_dma source(%dma_start3A_7 : memref<80x100xf32, #tpu.memory_space<hbm>>) target(%arg7 : memref<80x100xf32, #tpu.memory_space<vmem>>) target_semaphore(%arg24 : memref<!tpu.dma_semaphore, #tpu.memory_space<semaphore_mem>>)
    %dma_start3A_8 = arith.constant 0 : i32
    %dma_start3A_9 = tpu.memref_slice %arg3[%add3A_4, %dma_start3A_8] : memref<320000x100xf32, #tpu.memory_space<hbm>> -> memref<80x100xf32, #tpu.memory_space<hbm>>
    %dma_start3A_10 = arith.constant 0 : i32
    %dma_start3A_11 = tpu.memref_slice %arg3[%add3A_4, %dma_start3A_10] : memref<320000x100xf32, #tpu.memory_space<hbm>> -> memref<80x100xf32, #tpu.memory_space<hbm>>
    tpu.enqueue_dma source(%dma_start3A_11 : memref<80x100xf32, #tpu.memory_space<hbm>>) target(%arg8 : memref<80x100xf32, #tpu.memory_space<vmem>>) target_semaphore(%arg24 : memref<!tpu.dma_semaphore, #tpu.memory_space<semaphore_mem>>)
    %dma_start3A_12 = arith.constant 0 : i32
    %dma_start3A_13 = tpu.memref_slice %arg4[%add3A_4, %dma_start3A_12] : memref<320000x100xf32, #tpu.memory_space<hbm>> -> memref<80x100xf32, #tpu.memory_space<hbm>>
    %dma_start3A_14 = arith.constant 0 : i32
    %dma_start3A_15 = tpu.memref_slice %arg4[%add3A_4, %dma_start3A_14] : memref<320000x100xf32, #tpu.memory_space<hbm>> -> memref<80x100xf32, #tpu.memory_space<hbm>>
    tpu.enqueue_dma source(%dma_start3A_15 : memref<80x100xf32, #tpu.memory_space<hbm>>) target(%arg9 : memref<80x100xf32, #tpu.memory_space<vmem>>) target_semaphore(%arg24 : memref<!tpu.dma_semaphore, #tpu.memory_space<semaphore_mem>>)
    %dma_start3A_16 = tpu.memref_slice %arg5[%add3A_4] : memref<320000xf32, #tpu.memory_space<hbm>> -> memref<80xf32, #tpu.memory_space<hbm>>
    %dma_start3A_17 = tpu.memref_slice %arg5[%add3A_4] : memref<320000xf32, #tpu.memory_space<hbm>> -> memref<80xf32, #tpu.memory_space<hbm>>
    tpu.enqueue_dma source(%dma_start3A_17 : memref<80xf32, #tpu.memory_space<hbm>>) target(%arg10 : memref<80xf32, #tpu.memory_space<vmem>>) target_semaphore(%arg24 : memref<!tpu.dma_semaphore, #tpu.memory_space<semaphore_mem>>)
    %add3A_18 = arith.constant 80 : i32
    %add3A_19 = arith.addi %mul3A_2, %add3A_18 : i32
    %dma_start3A_20 = arith.constant 0 : i32
    %dma_start3A_21 = tpu.memref_slice %arg2[%add3A_19, %dma_start3A_20] : memref<320000x100xf32, #tpu.memory_space<hbm>> -> memref<80x100xf32, #tpu.memory_space<hbm>>
    %dma_start3A_22 = arith.constant 0 : i32
    %dma_start3A_23 = tpu.memref_slice %arg2[%add3A_19, %dma_start3A_22] : memref<320000x100xf32, #tpu.memory_space<hbm>> -> memref<80x100xf32, #tpu.memory_space<hbm>>
    tpu.enqueue_dma source(%dma_start3A_23 : memref<80x100xf32, #tpu.memory_space<hbm>>) target(%arg11 : memref<80x100xf32, #tpu.memory_space<vmem>>) target_semaphore(%arg25 : memref<!tpu.dma_semaphore, #tpu.memory_space<semaphore_mem>>)
    %dma_start3A_24 = arith.constant 0 : i32
    %dma_start3A_25 = tpu.memref_slice %arg3[%add3A_19, %dma_start3A_24] : memref<320000x100xf32, #tpu.memory_space<hbm>> -> memref<80x100xf32, #tpu.memory_space<hbm>>
    %dma_start3A_26 = arith.constant 0 : i32
    %dma_start3A_27 = tpu.memref_slice %arg3[%add3A_19, %dma_start3A_26] : memref<320000x100xf32, #tpu.memory_space<hbm>> -> memref<80x100xf32, #tpu.memory_space<hbm>>
    tpu.enqueue_dma source(%dma_start3A_27 : memref<80x100xf32, #tpu.memory_space<hbm>>) target(%arg12 : memref<80x100xf32, #tpu.memory_space<vmem>>) target_semaphore(%arg25 : memref<!tpu.dma_semaphore, #tpu.memory_space<semaphore_mem>>)
    %dma_start3A_28 = arith.constant 0 : i32
    %dma_start3A_29 = tpu.memref_slice %arg4[%add3A_19, %dma_start3A_28] : memref<320000x100xf32, #tpu.memory_space<hbm>> -> memref<80x100xf32, #tpu.memory_space<hbm>>
    %dma_start3A_30 = arith.constant 0 : i32
    %dma_start3A_31 = tpu.memref_slice %arg4[%add3A_19, %dma_start3A_30] : memref<320000x100xf32, #tpu.memory_space<hbm>> -> memref<80x100xf32, #tpu.memory_space<hbm>>
    tpu.enqueue_dma source(%dma_start3A_31 : memref<80x100xf32, #tpu.memory_space<hbm>>) target(%arg13 : memref<80x100xf32, #tpu.memory_space<vmem>>) target_semaphore(%arg25 : memref<!tpu.dma_semaphore, #tpu.memory_space<semaphore_mem>>)
    %dma_start3A_32 = tpu.memref_slice %arg5[%add3A_19] : memref<320000xf32, #tpu.memory_space<hbm>> -> memref<80xf32, #tpu.memory_space<hbm>>
    %dma_start3A_33 = tpu.memref_slice %arg5[%add3A_19] : memref<320000xf32, #tpu.memory_space<hbm>> -> memref<80xf32, #tpu.memory_space<hbm>>
    tpu.enqueue_dma source(%dma_start3A_33 : memref<80xf32, #tpu.memory_space<hbm>>) target(%arg14 : memref<80xf32, #tpu.memory_space<vmem>>) target_semaphore(%arg25 : memref<!tpu.dma_semaphore, #tpu.memory_space<semaphore_mem>>)
    %add3A_34 = arith.constant 160 : i32
    %add3A_35 = arith.addi %mul3A_2, %add3A_34 : i32
    %dma_start3A_36 = arith.constant 0 : i32
    %dma_start3A_37 = tpu.memref_slice %arg2[%add3A_35, %dma_start3A_36] : memref<320000x100xf32, #tpu.memory_space<hbm>> -> memref<80x100xf32, #tpu.memory_space<hbm>>
    %dma_start3A_38 = arith.constant 0 : i32
    %dma_start3A_39 = tpu.memref_slice %arg2[%add3A_35, %dma_start3A_38] : memref<320000x100xf32, #tpu.memory_space<hbm>> -> memref<80x100xf32, #tpu.memory_space<hbm>>
    tpu.enqueue_dma source(%dma_start3A_39 : memref<80x100xf32, #tpu.memory_space<hbm>>) target(%arg15 : memref<80x100xf32, #tpu.memory_space<vmem>>) target_semaphore(%arg26 : memref<!tpu.dma_semaphore, #tpu.memory_space<semaphore_mem>>)
    %dma_start3A_40 = arith.constant 0 : i32
    %dma_start3A_41 = tpu.memref_slice %arg3[%add3A_35, %dma_start3A_40] : memref<320000x100xf32, #tpu.memory_space<hbm>> -> memref<80x100xf32, #tpu.memory_space<hbm>>
    %dma_start3A_42 = arith.constant 0 : i32
    %dma_start3A_43 = tpu.memref_slice %arg3[%add3A_35, %dma_start3A_42] : memref<320000x100xf32, #tpu.memory_space<hbm>> -> memref<80x100xf32, #tpu.memory_space<hbm>>
    tpu.enqueue_dma source(%dma_start3A_43 : memref<80x100xf32, #tpu.memory_space<hbm>>) target(%arg16 : memref<80x100xf32, #tpu.memory_space<vmem>>) target_semaphore(%arg26 : memref<!tpu.dma_semaphore, #tpu.memory_space<semaphore_mem>>)
    %dma_start3A_44 = arith.constant 0 : i32
    %dma_start3A_45 = tpu.memref_slice %arg4[%add3A_35, %dma_start3A_44] : memref<320000x100xf32, #tpu.memory_space<hbm>> -> memref<80x100xf32, #tpu.memory_space<hbm>>
    %dma_start3A_46 = arith.constant 0 : i32
    %dma_start3A_47 = tpu.memref_slice %arg4[%add3A_35, %dma_start3A_46] : memref<320000x100xf32, #tpu.memory_space<hbm>> -> memref<80x100xf32, #tpu.memory_space<hbm>>
    tpu.enqueue_dma source(%dma_start3A_47 : memref<80x100xf32, #tpu.memory_space<hbm>>) target(%arg17 : memref<80x100xf32, #tpu.memory_space<vmem>>) target_semaphore(%arg26 : memref<!tpu.dma_semaphore, #tpu.memory_space<semaphore_mem>>)
    %dma_start3A_48 = tpu.memref_slice %arg5[%add3A_35] : memref<320000xf32, #tpu.memory_space<hbm>> -> memref<80xf32, #tpu.memory_space<hbm>>
    %dma_start3A_49 = tpu.memref_slice %arg5[%add3A_35] : memref<320000xf32, #tpu.memory_space<hbm>> -> memref<80xf32, #tpu.memory_space<hbm>>
    tpu.enqueue_dma source(%dma_start3A_49 : memref<80xf32, #tpu.memory_space<hbm>>) target(%arg18 : memref<80xf32, #tpu.memory_space<vmem>>) target_semaphore(%arg26 : memref<!tpu.dma_semaphore, #tpu.memory_space<semaphore_mem>>)
    %add3A_50 = arith.constant 240 : i32
    %add3A_51 = arith.addi %mul3A_2, %add3A_50 : i32
    %dma_start3A_52 = arith.constant 0 : i32
    %dma_start3A_53 = tpu.memref_slice %arg2[%add3A_51, %dma_start3A_52] : memref<320000x100xf32, #tpu.memory_space<hbm>> -> memref<80x100xf32, #tpu.memory_space<hbm>>
    %dma_start3A_54 = arith.constant 0 : i32
    %dma_start3A_55 = tpu.memref_slice %arg2[%add3A_51, %dma_start3A_54] : memref<320000x100xf32, #tpu.memory_space<hbm>> -> memref<80x100xf32, #tpu.memory_space<hbm>>
    tpu.enqueue_dma source(%dma_start3A_55 : memref<80x100xf32, #tpu.memory_space<hbm>>) target(%arg19 : memref<80x100xf32, #tpu.memory_space<vmem>>) target_semaphore(%arg27 : memref<!tpu.dma_semaphore, #tpu.memory_space<semaphore_mem>>)
    %dma_start3A_56 = arith.constant 0 : i32
    %dma_start3A_57 = tpu.memref_slice %arg3[%add3A_51, %dma_start3A_56] : memref<320000x100xf32, #tpu.memory_space<hbm>> -> memref<80x100xf32, #tpu.memory_space<hbm>>
    %dma_start3A_58 = arith.constant 0 : i32
    %dma_start3A_59 = tpu.memref_slice %arg3[%add3A_51, %dma_start3A_58] : memref<320000x100xf32, #tpu.memory_space<hbm>> -> memref<80x100xf32, #tpu.memory_space<hbm>>
    tpu.enqueue_dma source(%dma_start3A_59 : memref<80x100xf32, #tpu.memory_space<hbm>>) target(%arg20 : memref<80x100xf32, #tpu.memory_space<vmem>>) target_semaphore(%arg27 : memref<!tpu.dma_semaphore, #tpu.memory_space<semaphore_mem>>)
    %dma_start3A_60 = arith.constant 0 : i32
    %dma_start3A_61 = tpu.memref_slice %arg4[%add3A_51, %dma_start3A_60] : memref<320000x100xf32, #tpu.memory_space<hbm>> -> memref<80x100xf32, #tpu.memory_space<hbm>>
    %dma_start3A_62 = arith.constant 0 : i32
    %dma_start3A_63 = tpu.memref_slice %arg4[%add3A_51, %dma_start3A_62] : memref<320000x100xf32, #tpu.memory_space<hbm>> -> memref<80x100xf32, #tpu.memory_space<hbm>>
    tpu.enqueue_dma source(%dma_start3A_63 : memref<80x100xf32, #tpu.memory_space<hbm>>) target(%arg21 : memref<80x100xf32, #tpu.memory_space<vmem>>) target_semaphore(%arg27 : memref<!tpu.dma_semaphore, #tpu.memory_space<semaphore_mem>>)
    %dma_start3A_64 = tpu.memref_slice %arg5[%add3A_51] : memref<320000xf32, #tpu.memory_space<hbm>> -> memref<80xf32, #tpu.memory_space<hbm>>
    %dma_start3A_65 = tpu.memref_slice %arg5[%add3A_51] : memref<320000xf32, #tpu.memory_space<hbm>> -> memref<80xf32, #tpu.memory_space<hbm>>
    tpu.enqueue_dma source(%dma_start3A_65 : memref<80xf32, #tpu.memory_space<hbm>>) target(%arg22 : memref<80xf32, #tpu.memory_space<vmem>>) target_semaphore(%arg27 : memref<!tpu.dma_semaphore, #tpu.memory_space<semaphore_mem>>)
    %scan3A = arith.constant 0 : i32
    %scan3A_66 = arith.constant 31 : i32
    %scan3A_67 = arith.addi %scan3A, %scan3A_66 : i32
    %scan3A_68 = arith.constant 1 : i32
    scf.for %scan3A_100 = %scan3A to %scan3A_67 step %scan3A_68  : i32 {
      %gt3A = arith.constant 0 : i32
      %gt3A_101 = arith.cmpi sgt, %scan3A_100, %gt3A : i32
      %convert_element_type3A = arith.extui %gt3A_101 : i1 to i32
      %cond3A = arith.constant 0 : i32
      %cond3A_102 = arith.cmpi ne, %convert_element_type3A, %cond3A : i32
      scf.if %cond3A_102 {
        %dma_wait3A_253 = tpu.memref_slice %arg6[%mul3A_2] : memref<320000xf32, #tpu.memory_space<hbm>> -> memref<320xf32, #tpu.memory_space<hbm>>
        %dma_wait3A_254 = tpu.memref_slice %arg6[%mul3A_2] : memref<320000xf32, #tpu.memory_space<hbm>> -> memref<320xf32, #tpu.memory_space<hbm>>
        tpu.wait_dma2 semaphore(%arg28 : memref<!tpu.dma_semaphore, #tpu.memory_space<semaphore_mem>>) src(%arg23 : memref<320xf32, #tpu.memory_space<vmem>>) dst(%dma_wait3A_254 : memref<320xf32, #tpu.memory_space<hbm>>)
      } else {
      }
      %mul3A_103 = arith.constant 4 : i32
      %mul3A_104 = arith.muli %mul3A_103, %scan3A_100 : i32
      %add3A_105 = arith.constant 0 : i32
      %add3A_106 = arith.addi %mul3A_104, %add3A_105 : i32
      %dma_wait3A_107 = arith.constant 0 : i32
      %dma_wait3A_108 = arith.constant 0 : i32
      %dma_wait3A_109 = tpu.memref_slice %arg2[%dma_wait3A_107, %dma_wait3A_108] : memref<320000x100xf32, #tpu.memory_space<hbm>> -> memref<80x100xf32, #tpu.memory_space<hbm>>
      %dma_wait3A_110 = arith.constant 0 : i32
      %dma_wait3A_111 = arith.constant 0 : i32
      %dma_wait3A_112 = tpu.memref_slice %arg2[%dma_wait3A_110, %dma_wait3A_111] : memref<320000x100xf32, #tpu.memory_space<hbm>> -> memref<80x100xf32, #tpu.memory_space<hbm>>
      tpu.wait_dma2 semaphore(%arg24 : memref<!tpu.dma_semaphore, #tpu.memory_space<semaphore_mem>>) src(%dma_wait3A_112 : memref<80x100xf32, #tpu.memory_space<hbm>>) dst(%arg7 : memref<80x100xf32, #tpu.memory_space<vmem>>)
      %dma_wait3A_113 = arith.constant 0 : i32
      %dma_wait3A_114 = arith.constant 0 : i32
      %dma_wait3A_115 = tpu.memref_slice %arg3[%dma_wait3A_113, %dma_wait3A_114] : memref<320000x100xf32, #tpu.memory_space<hbm>> -> memref<80x100xf32, #tpu.memory_space<hbm>>
      %dma_wait3A_116 = arith.constant 0 : i32
      %dma_wait3A_117 = arith.constant 0 : i32
      %dma_wait3A_118 = tpu.memref_slice %arg3[%dma_wait3A_116, %dma_wait3A_117] : memref<320000x100xf32, #tpu.memory_space<hbm>> -> memref<80x100xf32, #tpu.memory_space<hbm>>
      tpu.wait_dma2 semaphore(%arg24 : memref<!tpu.dma_semaphore, #tpu.memory_space<semaphore_mem>>) src(%dma_wait3A_118 : memref<80x100xf32, #tpu.memory_space<hbm>>) dst(%arg8 : memref<80x100xf32, #tpu.memory_space<vmem>>)
      %dma_wait3A_119 = arith.constant 0 : i32
      %dma_wait3A_120 = arith.constant 0 : i32
      %dma_wait3A_121 = tpu.memref_slice %arg4[%dma_wait3A_119, %dma_wait3A_120] : memref<320000x100xf32, #tpu.memory_space<hbm>> -> memref<80x100xf32, #tpu.memory_space<hbm>>
      %dma_wait3A_122 = arith.constant 0 : i32
      %dma_wait3A_123 = arith.constant 0 : i32
      %dma_wait3A_124 = tpu.memref_slice %arg4[%dma_wait3A_122, %dma_wait3A_123] : memref<320000x100xf32, #tpu.memory_space<hbm>> -> memref<80x100xf32, #tpu.memory_space<hbm>>
      tpu.wait_dma2 semaphore(%arg24 : memref<!tpu.dma_semaphore, #tpu.memory_space<semaphore_mem>>) src(%dma_wait3A_124 : memref<80x100xf32, #tpu.memory_space<hbm>>) dst(%arg9 : memref<80x100xf32, #tpu.memory_space<vmem>>)
      %dma_wait3A_125 = arith.constant 0 : i32
      %dma_wait3A_126 = tpu.memref_slice %arg5[%dma_wait3A_125] : memref<320000xf32, #tpu.memory_space<hbm>> -> memref<80xf32, #tpu.memory_space<hbm>>
      %dma_wait3A_127 = arith.constant 0 : i32
      %dma_wait3A_128 = tpu.memref_slice %arg5[%dma_wait3A_127] : memref<320000xf32, #tpu.memory_space<hbm>> -> memref<80xf32, #tpu.memory_space<hbm>>
      tpu.wait_dma2 semaphore(%arg24 : memref<!tpu.dma_semaphore, #tpu.memory_space<semaphore_mem>>) src(%dma_wait3A_128 : memref<80xf32, #tpu.memory_space<hbm>>) dst(%arg10 : memref<80xf32, #tpu.memory_space<vmem>>)
      %scan3A_129 = arith.constant 0 : i32
      %scan3A_130 = arith.constant 5 : i32
      %scan3A_131 = arith.addi %scan3A_129, %scan3A_130 : i32
      %scan3A_132 = arith.constant 1 : i32
      scf.for %scan3A_253 = %scan3A_129 to %scan3A_131 step %scan3A_132  : i32 {
        %mul3A_254 = arith.constant 16 : i32
        %mul3A_255 = arith.muli %scan3A_253, %mul3A_254 : i32
        %add3A_256 = vector.broadcast %mul3A_255 : i32 to vector<16xi32>
        %add3A_257 = arith.addi %add3A_256, %iota3A : vector<16xi32>
        %get3A = arith.index_cast %mul3A_255 : i32 to index
        %get3A_258 = tpu.vector_load %arg10[%get3A] {strides = array<i32>} : memref<80xf32, #tpu.memory_space<vmem>>, vector<16xf32>,
        %broadcast_in_dim3A = arith.constant 100 : i32
        %broadcast_in_dim3A_259 = vector.broadcast %broadcast_in_dim3A : i32 to vector<16xi32>
        %while3A = arith.constant 0 : i32
        %while3A_260:2 = scf.while (%while3A_270 = %while3A, %while3A_271 = %broadcast_in_dim3A_259) : (i32, vector<16xi32>) -> (i32, vector<16xi32>) {
          %lt3A_272 = arith.constant 25 : i32
          %lt3A_273 = arith.cmpi slt, %while3A_270, %lt3A_272 : i32
          %reduce_max3A = arith.constant true
          %reduce_max3A_274 = vector.broadcast %reduce_max3A : i1 to vector<16xi1>
          %reduce_max3A_275 = arith.constant -2147483648 : i32
          %reduce_max3A_276 = vector.broadcast %reduce_max3A_275 : i32 to vector<16xi32>
          %reduce_max3A_277 = arith.xori %while3A_271, %reduce_max3A_276 : vector<16xi32>
          %reduce_max3A_278 = tpu.scan <max>, %reduce_max3A_277 masked %reduce_max3A_274 : vector<16xi32>, vector<16xi1> -> vector<16xi32>
          %reduce_max3A_279 = arith.xori %reduce_max3A_278, %reduce_max3A_276 : vector<16xi32>
          %reduce_max3A_280 = vector.extract %reduce_max3A_279[15] : i32 from vector<16xi32>
          %ge3A_281 = arith.constant 100 : i32
          %ge3A_282 = arith.cmpi sge, %reduce_max3A_280, %ge3A_281 : i32
          %and3A = arith.andi %lt3A_273, %ge3A_282 : i1
          scf.condition(%and3A) %while3A_270, %while3A_271 : i32, vector<16xi32>
        } do {
        ^bb0(%while3A_270: i32, %while3A_271: vector<16xi32>):
          %mul3A_272 = arith.constant 4 : i32
          %mul3A_273 = arith.muli %while3A_270, %mul3A_272 : i32
          %add3A_274 = arith.constant 0 : i32
          %add3A_275 = arith.addi %mul3A_273, %add3A_274 : i32
          %broadcast_in_dim3A_276 = vector.broadcast %add3A_275 : i32 to vector<16xi32>
          %gather3A_277 = tpu.vector_load_idx %arg7[%add3A_257, %broadcast_in_dim3A_276] : memref<80x100xf32, #tpu.memory_space<vmem>>[vector<16xi32>, vector<16xi32>], vector<16xf32>,
          %gather3A_278 = tpu.vector_load_idx %arg8[%add3A_257, %broadcast_in_dim3A_276] : memref<80x100xf32, #tpu.memory_space<vmem>>[vector<16xi32>, vector<16xi32>], vector<16xf32>,
          %mul3A_279 = arith.mulf %gather3A_277, %get3A_258 : vector<16xf32>
          %div3A = arith.divf %mul3A_279, %gather3A_278 : vector<16xf32>
          %lt3A_280 = arith.constant 1.000000e+00 : f32
          %lt3A_281 = vector.broadcast %lt3A_280 : f32 to vector<16xf32>
          %lt3A_282 = arith.cmpf olt, %div3A, %lt3A_281 : vector<16xf32>
          %broadcast_in_dim3A_283 = arith.constant 100 : i32
          %broadcast_in_dim3A_284 = vector.broadcast %broadcast_in_dim3A_283 : i32 to vector<16xi32>
          %select_n3A_285 = arith.select %lt3A_282, %broadcast_in_dim3A_276, %broadcast_in_dim3A_284 : vector<16xi1>, vector<16xi32>
          %min3A_286 = arith.minsi %while3A_271, %select_n3A_285 : vector<16xi32>
          %add3A_287 = arith.constant 1 : i32
          %add3A_288 = arith.addi %mul3A_273, %add3A_287 : i32
          %broadcast_in_dim3A_289 = vector.broadcast %add3A_288 : i32 to vector<16xi32>
          %gather3A_290 = tpu.vector_load_idx %arg7[%add3A_257, %broadcast_in_dim3A_289] : memref<80x100xf32, #tpu.memory_space<vmem>>[vector<16xi32>, vector<16xi32>], vector<16xf32>,
          %gather3A_291 = tpu.vector_load_idx %arg8[%add3A_257, %broadcast_in_dim3A_289] : memref<80x100xf32, #tpu.memory_space<vmem>>[vector<16xi32>, vector<16xi32>], vector<16xf32>,
          %mul3A_292 = arith.mulf %gather3A_290, %get3A_258 : vector<16xf32>
          %div3A_293 = arith.divf %mul3A_292, %gather3A_291 : vector<16xf32>
          %lt3A_294 = arith.constant 1.000000e+00 : f32
          %lt3A_295 = vector.broadcast %lt3A_294 : f32 to vector<16xf32>
          %lt3A_296 = arith.cmpf olt, %div3A_293, %lt3A_295 : vector<16xf32>
          %broadcast_in_dim3A_297 = arith.constant 100 : i32
          %broadcast_in_dim3A_298 = vector.broadcast %broadcast_in_dim3A_297 : i32 to vector<16xi32>
          %select_n3A_299 = arith.select %lt3A_296, %broadcast_in_dim3A_289, %broadcast_in_dim3A_298 : vector<16xi1>, vector<16xi32>
          %min3A_300 = arith.minsi %min3A_286, %select_n3A_299 : vector<16xi32>
          %add3A_301 = arith.constant 2 : i32
          %add3A_302 = arith.addi %mul3A_273, %add3A_301 : i32
          %broadcast_in_dim3A_303 = vector.broadcast %add3A_302 : i32 to vector<16xi32>
          %gather3A_304 = tpu.vector_load_idx %arg7[%add3A_257, %broadcast_in_dim3A_303] : memref<80x100xf32, #tpu.memory_space<vmem>>[vector<16xi32>, vector<16xi32>], vector<16xf32>,
          %gather3A_305 = tpu.vector_load_idx %arg8[%add3A_257, %broadcast_in_dim3A_303] : memref<80x100xf32, #tpu.memory_space<vmem>>[vector<16xi32>, vector<16xi32>], vector<16xf32>,
          %mul3A_306 = arith.mulf %gather3A_304, %get3A_258 : vector<16xf32>
          %div3A_307 = arith.divf %mul3A_306, %gather3A_305 : vector<16xf32>
          %lt3A_308 = arith.constant 1.000000e+00 : f32
          %lt3A_309 = vector.broadcast %lt3A_308 : f32 to vector<16xf32>
          %lt3A_310 = arith.cmpf olt, %div3A_307, %lt3A_309 : vector<16xf32>
          %broadcast_in_dim3A_311 = arith.constant 100 : i32
          %broadcast_in_dim3A_312 = vector.broadcast %broadcast_in_dim3A_311 : i32 to vector<16xi32>
          %select_n3A_313 = arith.select %lt3A_310, %broadcast_in_dim3A_303, %broadcast_in_dim3A_312 : vector<16xi1>, vector<16xi32>
          %min3A_314 = arith.minsi %min3A_300, %select_n3A_313 : vector<16xi32>
          %add3A_315 = arith.constant 3 : i32
          %add3A_316 = arith.addi %mul3A_273, %add3A_315 : i32
          %broadcast_in_dim3A_317 = vector.broadcast %add3A_316 : i32 to vector<16xi32>
          %gather3A_318 = tpu.vector_load_idx %arg7[%add3A_257, %broadcast_in_dim3A_317] : memref<80x100xf32, #tpu.memory_space<vmem>>[vector<16xi32>, vector<16xi32>], vector<16xf32>,
          %gather3A_319 = tpu.vector_load_idx %arg8[%add3A_257, %broadcast_in_dim3A_317] : memref<80x100xf32, #tpu.memory_space<vmem>>[vector<16xi32>, vector<16xi32>], vector<16xf32>,
          %mul3A_320 = arith.mulf %gather3A_318, %get3A_258 : vector<16xf32>
          %div3A_321 = arith.divf %mul3A_320, %gather3A_319 : vector<16xf32>
          %lt3A_322 = arith.constant 1.000000e+00 : f32
          %lt3A_323 = vector.broadcast %lt3A_322 : f32 to vector<16xf32>
          %lt3A_324 = arith.cmpf olt, %div3A_321, %lt3A_323 : vector<16xf32>
          %broadcast_in_dim3A_325 = arith.constant 100 : i32
          %broadcast_in_dim3A_326 = vector.broadcast %broadcast_in_dim3A_325 : i32 to vector<16xi32>
          %select_n3A_327 = arith.select %lt3A_324, %broadcast_in_dim3A_317, %broadcast_in_dim3A_326 : vector<16xi1>, vector<16xi32>
          %min3A_328 = arith.minsi %min3A_314, %select_n3A_327 : vector<16xi32>
          %add3A_329 = arith.constant 1 : i32
          %add3A_330 = arith.addi %while3A_270, %add3A_329 : i32
          scf.yield %add3A_330, %min3A_328 : i32, vector<16xi32>
        }
        %broadcast_in_dim3A_261 = arith.constant 99 : i32
        %broadcast_in_dim3A_262 = vector.broadcast %broadcast_in_dim3A_261 : i32 to vector<16xi32>
        %min3A = arith.minsi %while3A_260#1, %broadcast_in_dim3A_262 : vector<16xi32>
        %gather3A = tpu.vector_load_idx %arg9[%add3A_257, %min3A] : memref<80x100xf32, #tpu.memory_space<vmem>>[vector<16xi32>, vector<16xi32>], vector<16xf32>,
        %ge3A = arith.constant 100 : i32
        %ge3A_263 = vector.broadcast %ge3A : i32 to vector<16xi32>
        %ge3A_264 = arith.cmpi sge, %while3A_260#1, %ge3A_263 : vector<16xi32>
        %broadcast_in_dim3A_265 = arith.constant 1.000000e+01 : f32
        %broadcast_in_dim3A_266 = vector.broadcast %broadcast_in_dim3A_265 : f32 to vector<16xf32>
        %select_n3A = arith.select %ge3A_264, %broadcast_in_dim3A_266, %gather3A : vector<16xi1>, vector<16xf32>
        %add3A_267 = arith.constant 0 : i32
        %add3A_268 = arith.addi %add3A_267, %mul3A_255 : i32
        %swap3A = arith.index_cast %add3A_268 : i32 to index
        %swap3A_269 = tpu.vector_load %arg23[%swap3A] {strides = array<i32>} : memref<320xf32, #tpu.memory_space<vmem>>, vector<16xf32>,
        tpu.vector_store %arg23[%swap3A], %select_n3A {strides = array<i32>} : memref<320xf32, #tpu.memory_space<vmem>>, vector<16xf32>,
      }
      %scan3A_133 = arith.constant 5 : i32
      %add3A_134 = arith.constant 4 : i32
      %add3A_135 = arith.addi %add3A_106, %add3A_134 : i32
      %lt3A = arith.constant 125 : i32
      %lt3A_136 = arith.cmpi slt, %add3A_135, %lt3A : i32
      %convert_element_type3A_137 = arith.extui %lt3A_136 : i1 to i32
      %cond3A_138 = arith.constant 0 : i32
      %cond3A_139 = arith.cmpi ne, %convert_element_type3A_137, %cond3A_138 : i32
      scf.if %cond3A_139 {
        %add3A_253 = arith.constant 4 : i32
        %add3A_254 = arith.addi %add3A_106, %add3A_253 : i32
        %mul3A_255 = arith.constant 80 : i32
        %mul3A_256 = arith.muli %add3A_254, %mul3A_255 : i32
        %add3A_257 = arith.addi %mul3A_2, %mul3A_256 : i32
        %dma_start3A_258 = arith.constant 0 : i32
        %dma_start3A_259 = tpu.memref_slice %arg2[%add3A_257, %dma_start3A_258] : memref<320000x100xf32, #tpu.memory_space<hbm>> -> memref<80x100xf32, #tpu.memory_space<hbm>>
        %dma_start3A_260 = arith.constant 0 : i32
        %dma_start3A_261 = tpu.memref_slice %arg2[%add3A_257, %dma_start3A_260] : memref<320000x100xf32, #tpu.memory_space<hbm>> -> memref<80x100xf32, #tpu.memory_space<hbm>>
        tpu.enqueue_dma source(%dma_start3A_261 : memref<80x100xf32, #tpu.memory_space<hbm>>) target(%arg7 : memref<80x100xf32, #tpu.memory_space<vmem>>) target_semaphore(%arg24 : memref<!tpu.dma_semaphore, #tpu.memory_space<semaphore_mem>>)
        %dma_start3A_262 = arith.constant 0 : i32
        %dma_start3A_263 = tpu.memref_slice %arg3[%add3A_257, %dma_start3A_262] : memref<320000x100xf32, #tpu.memory_space<hbm>> -> memref<80x100xf32, #tpu.memory_space<hbm>>
        %dma_start3A_264 = arith.constant 0 : i32
        %dma_start3A_265 = tpu.memref_slice %arg3[%add3A_257, %dma_start3A_264] : memref<320000x100xf32, #tpu.memory_space<hbm>> -> memref<80x100xf32, #tpu.memory_space<hbm>>
        tpu.enqueue_dma source(%dma_start3A_265 : memref<80x100xf32, #tpu.memory_space<hbm>>) target(%arg8 : memref<80x100xf32, #tpu.memory_space<vmem>>) target_semaphore(%arg24 : memref<!tpu.dma_semaphore, #tpu.memory_space<semaphore_mem>>)
        %dma_start3A_266 = arith.constant 0 : i32
        %dma_start3A_267 = tpu.memref_slice %arg4[%add3A_257, %dma_start3A_266] : memref<320000x100xf32, #tpu.memory_space<hbm>> -> memref<80x100xf32, #tpu.memory_space<hbm>>
        %dma_start3A_268 = arith.constant 0 : i32
        %dma_start3A_269 = tpu.memref_slice %arg4[%add3A_257, %dma_start3A_268] : memref<320000x100xf32, #tpu.memory_space<hbm>> -> memref<80x100xf32, #tpu.memory_space<hbm>>
        tpu.enqueue_dma source(%dma_start3A_269 : memref<80x100xf32, #tpu.memory_space<hbm>>) target(%arg9 : memref<80x100xf32, #tpu.memory_space<vmem>>) target_semaphore(%arg24 : memref<!tpu.dma_semaphore, #tpu.memory_space<semaphore_mem>>)
        %dma_start3A_270 = tpu.memref_slice %arg5[%add3A_257] : memref<320000xf32, #tpu.memory_space<hbm>> -> memref<80xf32, #tpu.memory_space<hbm>>
        %dma_start3A_271 = tpu.memref_slice %arg5[%add3A_257] : memref<320000xf32, #tpu.memory_space<hbm>> -> memref<80xf32, #tpu.memory_space<hbm>>
        tpu.enqueue_dma source(%dma_start3A_271 : memref<80xf32, #tpu.memory_space<hbm>>) target(%arg10 : memref<80xf32, #tpu.memory_space<vmem>>) target_semaphore(%arg24 : memref<!tpu.dma_semaphore, #tpu.memory_space<semaphore_mem>>)
      } else {
      }
      %add3A_140 = arith.constant 1 : i32
      %add3A_141 = arith.addi %mul3A_104, %add3A_140 : i32
      %dma_wait3A_142 = arith.constant 0 : i32
      %dma_wait3A_143 = arith.constant 0 : i32
      %dma_wait3A_144 = tpu.memref_slice %arg2[%dma_wait3A_142, %dma_wait3A_143] : memref<320000x100xf32, #tpu.memory_space<hbm>> -> memref<80x100xf32, #tpu.memory_space<hbm>>
      %dma_wait3A_145 = arith.constant 0 : i32
      %dma_wait3A_146 = arith.constant 0 : i32
      %dma_wait3A_147 = tpu.memref_slice %arg2[%dma_wait3A_145, %dma_wait3A_146] : memref<320000x100xf32, #tpu.memory_space<hbm>> -> memref<80x100xf32, #tpu.memory_space<hbm>>
      tpu.wait_dma2 semaphore(%arg25 : memref<!tpu.dma_semaphore, #tpu.memory_space<semaphore_mem>>) src(%dma_wait3A_147 : memref<80x100xf32, #tpu.memory_space<hbm>>) dst(%arg11 : memref<80x100xf32, #tpu.memory_space<vmem>>)
      %dma_wait3A_148 = arith.constant 0 : i32
      %dma_wait3A_149 = arith.constant 0 : i32
      %dma_wait3A_150 = tpu.memref_slice %arg3[%dma_wait3A_148, %dma_wait3A_149] : memref<320000x100xf32, #tpu.memory_space<hbm>> -> memref<80x100xf32, #tpu.memory_space<hbm>>
      %dma_wait3A_151 = arith.constant 0 : i32
      %dma_wait3A_152 = arith.constant 0 : i32
      %dma_wait3A_153 = tpu.memref_slice %arg3[%dma_wait3A_151, %dma_wait3A_152] : memref<320000x100xf32, #tpu.memory_space<hbm>> -> memref<80x100xf32, #tpu.memory_space<hbm>>
      tpu.wait_dma2 semaphore(%arg25 : memref<!tpu.dma_semaphore, #tpu.memory_space<semaphore_mem>>) src(%dma_wait3A_153 : memref<80x100xf32, #tpu.memory_space<hbm>>) dst(%arg12 : memref<80x100xf32, #tpu.memory_space<vmem>>)
      %dma_wait3A_154 = arith.constant 0 : i32
      %dma_wait3A_155 = arith.constant 0 : i32
      %dma_wait3A_156 = tpu.memref_slice %arg4[%dma_wait3A_154, %dma_wait3A_155] : memref<320000x100xf32, #tpu.memory_space<hbm>> -> memref<80x100xf32, #tpu.memory_space<hbm>>
      %dma_wait3A_157 = arith.constant 0 : i32
      %dma_wait3A_158 = arith.constant 0 : i32
      %dma_wait3A_159 = tpu.memref_slice %arg4[%dma_wait3A_157, %dma_wait3A_158] : memref<320000x100xf32, #tpu.memory_space<hbm>> -> memref<80x100xf32, #tpu.memory_space<hbm>>
      tpu.wait_dma2 semaphore(%arg25 : memref<!tpu.dma_semaphore, #tpu.memory_space<semaphore_mem>>) src(%dma_wait3A_159 : memref<80x100xf32, #tpu.memory_space<hbm>>) dst(%arg13 : memref<80x100xf32, #tpu.memory_space<vmem>>)
      %dma_wait3A_160 = arith.constant 0 : i32
      %dma_wait3A_161 = tpu.memref_slice %arg5[%dma_wait3A_160] : memref<320000xf32, #tpu.memory_space<hbm>> -> memref<80xf32, #tpu.memory_space<hbm>>
      %dma_wait3A_162 = arith.constant 0 : i32
      %dma_wait3A_163 = tpu.memref_slice %arg5[%dma_wait3A_162] : memref<320000xf32, #tpu.memory_space<hbm>> -> memref<80xf32, #tpu.memory_space<hbm>>
      tpu.wait_dma2 semaphore(%arg25 : memref<!tpu.dma_semaphore, #tpu.memory_space<semaphore_mem>>) src(%dma_wait3A_163 : memref<80xf32, #tpu.memory_space<hbm>>) dst(%arg14 : memref<80xf32, #tpu.memory_space<vmem>>)
      %scan3A_164 = arith.constant 0 : i32
      %scan3A_165 = arith.constant 5 : i32
      %scan3A_166 = arith.addi %scan3A_164, %scan3A_165 : i32
      %scan3A_167 = arith.constant 1 : i32
      scf.for %scan3A_253 = %scan3A_164 to %scan3A_166 step %scan3A_167  : i32 {
        %mul3A_254 = arith.constant 16 : i32
        %mul3A_255 = arith.muli %scan3A_253, %mul3A_254 : i32
        %add3A_256 = vector.broadcast %mul3A_255 : i32 to vector<16xi32>
        %add3A_257 = arith.addi %add3A_256, %iota3A : vector<16xi32>
        %get3A = arith.index_cast %mul3A_255 : i32 to index
        %get3A_258 = tpu.vector_load %arg14[%get3A] {strides = array<i32>} : memref<80xf32, #tpu.memory_space<vmem>>, vector<16xf32>,
        %broadcast_in_dim3A = arith.constant 100 : i32
        %broadcast_in_dim3A_259 = vector.broadcast %broadcast_in_dim3A : i32 to vector<16xi32>
        %while3A = arith.constant 0 : i32
        %while3A_260:2 = scf.while (%while3A_270 = %while3A, %while3A_271 = %broadcast_in_dim3A_259) : (i32, vector<16xi32>) -> (i32, vector<16xi32>) {
          %lt3A_272 = arith.constant 25 : i32
          %lt3A_273 = arith.cmpi slt, %while3A_270, %lt3A_272 : i32
          %reduce_max3A = arith.constant true
          %reduce_max3A_274 = vector.broadcast %reduce_max3A : i1 to vector<16xi1>
          %reduce_max3A_275 = arith.constant -2147483648 : i32
          %reduce_max3A_276 = vector.broadcast %reduce_max3A_275 : i32 to vector<16xi32>
          %reduce_max3A_277 = arith.xori %while3A_271, %reduce_max3A_276 : vector<16xi32>
          %reduce_max3A_278 = tpu.scan <max>, %reduce_max3A_277 masked %reduce_max3A_274 : vector<16xi32>, vector<16xi1> -> vector<16xi32>
          %reduce_max3A_279 = arith.xori %reduce_max3A_278, %reduce_max3A_276 : vector<16xi32>
          %reduce_max3A_280 = vector.extract %reduce_max3A_279[15] : i32 from vector<16xi32>
          %ge3A_281 = arith.constant 100 : i32
          %ge3A_282 = arith.cmpi sge, %reduce_max3A_280, %ge3A_281 : i32
          %and3A = arith.andi %lt3A_273, %ge3A_282 : i1
          scf.condition(%and3A) %while3A_270, %while3A_271 : i32, vector<16xi32>
        } do {
        ^bb0(%while3A_270: i32, %while3A_271: vector<16xi32>):
          %mul3A_272 = arith.constant 4 : i32
          %mul3A_273 = arith.muli %while3A_270, %mul3A_272 : i32
          %add3A_274 = arith.constant 0 : i32
          %add3A_275 = arith.addi %mul3A_273, %add3A_274 : i32
          %broadcast_in_dim3A_276 = vector.broadcast %add3A_275 : i32 to vector<16xi32>
          %gather3A_277 = tpu.vector_load_idx %arg11[%add3A_257, %broadcast_in_dim3A_276] : memref<80x100xf32, #tpu.memory_space<vmem>>[vector<16xi32>, vector<16xi32>], vector<16xf32>,
          %gather3A_278 = tpu.vector_load_idx %arg12[%add3A_257, %broadcast_in_dim3A_276] : memref<80x100xf32, #tpu.memory_space<vmem>>[vector<16xi32>, vector<16xi32>], vector<16xf32>,
          %mul3A_279 = arith.mulf %gather3A_277, %get3A_258 : vector<16xf32>
          %div3A = arith.divf %mul3A_279, %gather3A_278 : vector<16xf32>
          %lt3A_280 = arith.constant 1.000000e+00 : f32
          %lt3A_281 = vector.broadcast %lt3A_280 : f32 to vector<16xf32>
          %lt3A_282 = arith.cmpf olt, %div3A, %lt3A_281 : vector<16xf32>
          %broadcast_in_dim3A_283 = arith.constant 100 : i32
          %broadcast_in_dim3A_284 = vector.broadcast %broadcast_in_dim3A_283 : i32 to vector<16xi32>
          %select_n3A_285 = arith.select %lt3A_282, %broadcast_in_dim3A_276, %broadcast_in_dim3A_284 : vector<16xi1>, vector<16xi32>
          %min3A_286 = arith.minsi %while3A_271, %select_n3A_285 : vector<16xi32>
          %add3A_287 = arith.constant 1 : i32
          %add3A_288 = arith.addi %mul3A_273, %add3A_287 : i32
          %broadcast_in_dim3A_289 = vector.broadcast %add3A_288 : i32 to vector<16xi32>
          %gather3A_290 = tpu.vector_load_idx %arg11[%add3A_257, %broadcast_in_dim3A_289] : memref<80x100xf32, #tpu.memory_space<vmem>>[vector<16xi32>, vector<16xi32>], vector<16xf32>,
          %gather3A_291 = tpu.vector_load_idx %arg12[%add3A_257, %broadcast_in_dim3A_289] : memref<80x100xf32, #tpu.memory_space<vmem>>[vector<16xi32>, vector<16xi32>], vector<16xf32>,
          %mul3A_292 = arith.mulf %gather3A_290, %get3A_258 : vector<16xf32>
          %div3A_293 = arith.divf %mul3A_292, %gather3A_291 : vector<16xf32>
          %lt3A_294 = arith.constant 1.000000e+00 : f32
          %lt3A_295 = vector.broadcast %lt3A_294 : f32 to vector<16xf32>
          %lt3A_296 = arith.cmpf olt, %div3A_293, %lt3A_295 : vector<16xf32>
          %broadcast_in_dim3A_297 = arith.constant 100 : i32
          %broadcast_in_dim3A_298 = vector.broadcast %broadcast_in_dim3A_297 : i32 to vector<16xi32>
          %select_n3A_299 = arith.select %lt3A_296, %broadcast_in_dim3A_289, %broadcast_in_dim3A_298 : vector<16xi1>, vector<16xi32>
          %min3A_300 = arith.minsi %min3A_286, %select_n3A_299 : vector<16xi32>
          %add3A_301 = arith.constant 2 : i32
          %add3A_302 = arith.addi %mul3A_273, %add3A_301 : i32
          %broadcast_in_dim3A_303 = vector.broadcast %add3A_302 : i32 to vector<16xi32>
          %gather3A_304 = tpu.vector_load_idx %arg11[%add3A_257, %broadcast_in_dim3A_303] : memref<80x100xf32, #tpu.memory_space<vmem>>[vector<16xi32>, vector<16xi32>], vector<16xf32>,
          %gather3A_305 = tpu.vector_load_idx %arg12[%add3A_257, %broadcast_in_dim3A_303] : memref<80x100xf32, #tpu.memory_space<vmem>>[vector<16xi32>, vector<16xi32>], vector<16xf32>,
          %mul3A_306 = arith.mulf %gather3A_304, %get3A_258 : vector<16xf32>
          %div3A_307 = arith.divf %mul3A_306, %gather3A_305 : vector<16xf32>
          %lt3A_308 = arith.constant 1.000000e+00 : f32
          %lt3A_309 = vector.broadcast %lt3A_308 : f32 to vector<16xf32>
          %lt3A_310 = arith.cmpf olt, %div3A_307, %lt3A_309 : vector<16xf32>
          %broadcast_in_dim3A_311 = arith.constant 100 : i32
          %broadcast_in_dim3A_312 = vector.broadcast %broadcast_in_dim3A_311 : i32 to vector<16xi32>
          %select_n3A_313 = arith.select %lt3A_310, %broadcast_in_dim3A_303, %broadcast_in_dim3A_312 : vector<16xi1>, vector<16xi32>
          %min3A_314 = arith.minsi %min3A_300, %select_n3A_313 : vector<16xi32>
          %add3A_315 = arith.constant 3 : i32
          %add3A_316 = arith.addi %mul3A_273, %add3A_315 : i32
          %broadcast_in_dim3A_317 = vector.broadcast %add3A_316 : i32 to vector<16xi32>
          %gather3A_318 = tpu.vector_load_idx %arg11[%add3A_257, %broadcast_in_dim3A_317] : memref<80x100xf32, #tpu.memory_space<vmem>>[vector<16xi32>, vector<16xi32>], vector<16xf32>,
          %gather3A_319 = tpu.vector_load_idx %arg12[%add3A_257, %broadcast_in_dim3A_317] : memref<80x100xf32, #tpu.memory_space<vmem>>[vector<16xi32>, vector<16xi32>], vector<16xf32>,
          %mul3A_320 = arith.mulf %gather3A_318, %get3A_258 : vector<16xf32>
          %div3A_321 = arith.divf %mul3A_320, %gather3A_319 : vector<16xf32>
          %lt3A_322 = arith.constant 1.000000e+00 : f32
          %lt3A_323 = vector.broadcast %lt3A_322 : f32 to vector<16xf32>
          %lt3A_324 = arith.cmpf olt, %div3A_321, %lt3A_323 : vector<16xf32>
          %broadcast_in_dim3A_325 = arith.constant 100 : i32
          %broadcast_in_dim3A_326 = vector.broadcast %broadcast_in_dim3A_325 : i32 to vector<16xi32>
          %select_n3A_327 = arith.select %lt3A_324, %broadcast_in_dim3A_317, %broadcast_in_dim3A_326 : vector<16xi1>, vector<16xi32>
          %min3A_328 = arith.minsi %min3A_314, %select_n3A_327 : vector<16xi32>
          %add3A_329 = arith.constant 1 : i32
          %add3A_330 = arith.addi %while3A_270, %add3A_329 : i32
          scf.yield %add3A_330, %min3A_328 : i32, vector<16xi32>
        }
        %broadcast_in_dim3A_261 = arith.constant 99 : i32
        %broadcast_in_dim3A_262 = vector.broadcast %broadcast_in_dim3A_261 : i32 to vector<16xi32>
        %min3A = arith.minsi %while3A_260#1, %broadcast_in_dim3A_262 : vector<16xi32>
        %gather3A = tpu.vector_load_idx %arg13[%add3A_257, %min3A] : memref<80x100xf32, #tpu.memory_space<vmem>>[vector<16xi32>, vector<16xi32>], vector<16xf32>,
        %ge3A = arith.constant 100 : i32
        %ge3A_263 = vector.broadcast %ge3A : i32 to vector<16xi32>
        %ge3A_264 = arith.cmpi sge, %while3A_260#1, %ge3A_263 : vector<16xi32>
        %broadcast_in_dim3A_265 = arith.constant 1.000000e+01 : f32
        %broadcast_in_dim3A_266 = vector.broadcast %broadcast_in_dim3A_265 : f32 to vector<16xf32>
        %select_n3A = arith.select %ge3A_264, %broadcast_in_dim3A_266, %gather3A : vector<16xi1>, vector<16xf32>
        %add3A_267 = arith.constant 80 : i32
        %add3A_268 = arith.addi %add3A_267, %mul3A_255 : i32
        %swap3A = arith.index_cast %add3A_268 : i32 to index
        %swap3A_269 = tpu.vector_load %arg23[%swap3A] {strides = array<i32>} : memref<320xf32, #tpu.memory_space<vmem>>, vector<16xf32>,
        tpu.vector_store %arg23[%swap3A], %select_n3A {strides = array<i32>} : memref<320xf32, #tpu.memory_space<vmem>>, vector<16xf32>,
      }
      %scan3A_168 = arith.constant 5 : i32
      %add3A_169 = arith.constant 4 : i32
      %add3A_170 = arith.addi %add3A_141, %add3A_169 : i32
      %lt3A_171 = arith.constant 125 : i32
      %lt3A_172 = arith.cmpi slt, %add3A_170, %lt3A_171 : i32
      %convert_element_type3A_173 = arith.extui %lt3A_172 : i1 to i32
      %cond3A_174 = arith.constant 0 : i32
      %cond3A_175 = arith.cmpi ne, %convert_element_type3A_173, %cond3A_174 : i32
      scf.if %cond3A_175 {
        %add3A_253 = arith.constant 4 : i32
        %add3A_254 = arith.addi %add3A_141, %add3A_253 : i32
        %mul3A_255 = arith.constant 80 : i32
        %mul3A_256 = arith.muli %add3A_254, %mul3A_255 : i32
        %add3A_257 = arith.addi %mul3A_2, %mul3A_256 : i32
        %dma_start3A_258 = arith.constant 0 : i32
        %dma_start3A_259 = tpu.memref_slice %arg2[%add3A_257, %dma_start3A_258] : memref<320000x100xf32, #tpu.memory_space<hbm>> -> memref<80x100xf32, #tpu.memory_space<hbm>>
        %dma_start3A_260 = arith.constant 0 : i32
        %dma_start3A_261 = tpu.memref_slice %arg2[%add3A_257, %dma_start3A_260] : memref<320000x100xf32, #tpu.memory_space<hbm>> -> memref<80x100xf32, #tpu.memory_space<hbm>>
        tpu.enqueue_dma source(%dma_start3A_261 : memref<80x100xf32, #tpu.memory_space<hbm>>) target(%arg11 : memref<80x100xf32, #tpu.memory_space<vmem>>) target_semaphore(%arg25 : memref<!tpu.dma_semaphore, #tpu.memory_space<semaphore_mem>>)
        %dma_start3A_262 = arith.constant 0 : i32
        %dma_start3A_263 = tpu.memref_slice %arg3[%add3A_257, %dma_start3A_262] : memref<320000x100xf32, #tpu.memory_space<hbm>> -> memref<80x100xf32, #tpu.memory_space<hbm>>
        %dma_start3A_264 = arith.constant 0 : i32
        %dma_start3A_265 = tpu.memref_slice %arg3[%add3A_257, %dma_start3A_264] : memref<320000x100xf32, #tpu.memory_space<hbm>> -> memref<80x100xf32, #tpu.memory_space<hbm>>
        tpu.enqueue_dma source(%dma_start3A_265 : memref<80x100xf32, #tpu.memory_space<hbm>>) target(%arg12 : memref<80x100xf32, #tpu.memory_space<vmem>>) target_semaphore(%arg25 : memref<!tpu.dma_semaphore, #tpu.memory_space<semaphore_mem>>)
        %dma_start3A_266 = arith.constant 0 : i32
        %dma_start3A_267 = tpu.memref_slice %arg4[%add3A_257, %dma_start3A_266] : memref<320000x100xf32, #tpu.memory_space<hbm>> -> memref<80x100xf32, #tpu.memory_space<hbm>>
        %dma_start3A_268 = arith.constant 0 : i32
        %dma_start3A_269 = tpu.memref_slice %arg4[%add3A_257, %dma_start3A_268] : memref<320000x100xf32, #tpu.memory_space<hbm>> -> memref<80x100xf32, #tpu.memory_space<hbm>>
        tpu.enqueue_dma source(%dma_start3A_269 : memref<80x100xf32, #tpu.memory_space<hbm>>) target(%arg13 : memref<80x100xf32, #tpu.memory_space<vmem>>) target_semaphore(%arg25 : memref<!tpu.dma_semaphore, #tpu.memory_space<semaphore_mem>>)
        %dma_start3A_270 = tpu.memref_slice %arg5[%add3A_257] : memref<320000xf32, #tpu.memory_space<hbm>> -> memref<80xf32, #tpu.memory_space<hbm>>
        %dma_start3A_271 = tpu.memref_slice %arg5[%add3A_257] : memref<320000xf32, #tpu.memory_space<hbm>> -> memref<80xf32, #tpu.memory_space<hbm>>
        tpu.enqueue_dma source(%dma_start3A_271 : memref<80xf32, #tpu.memory_space<hbm>>) target(%arg14 : memref<80xf32, #tpu.memory_space<vmem>>) target_semaphore(%arg25 : memref<!tpu.dma_semaphore, #tpu.memory_space<semaphore_mem>>)
      } else {
      }
      %add3A_176 = arith.constant 2 : i32
      %add3A_177 = arith.addi %mul3A_104, %add3A_176 : i32
      %dma_wait3A_178 = arith.constant 0 : i32
      %dma_wait3A_179 = arith.constant 0 : i32
      %dma_wait3A_180 = tpu.memref_slice %arg2[%dma_wait3A_178, %dma_wait3A_179] : memref<320000x100xf32, #tpu.memory_space<hbm>> -> memref<80x100xf32, #tpu.memory_space<hbm>>
      %dma_wait3A_181 = arith.constant 0 : i32
      %dma_wait3A_182 = arith.constant 0 : i32
      %dma_wait3A_183 = tpu.memref_slice %arg2[%dma_wait3A_181, %dma_wait3A_182] : memref<320000x100xf32, #tpu.memory_space<hbm>> -> memref<80x100xf32, #tpu.memory_space<hbm>>
      tpu.wait_dma2 semaphore(%arg26 : memref<!tpu.dma_semaphore, #tpu.memory_space<semaphore_mem>>) src(%dma_wait3A_183 : memref<80x100xf32, #tpu.memory_space<hbm>>) dst(%arg15 : memref<80x100xf32, #tpu.memory_space<vmem>>)
      %dma_wait3A_184 = arith.constant 0 : i32
      %dma_wait3A_185 = arith.constant 0 : i32
      %dma_wait3A_186 = tpu.memref_slice %arg3[%dma_wait3A_184, %dma_wait3A_185] : memref<320000x100xf32, #tpu.memory_space<hbm>> -> memref<80x100xf32, #tpu.memory_space<hbm>>
      %dma_wait3A_187 = arith.constant 0 : i32
      %dma_wait3A_188 = arith.constant 0 : i32
      %dma_wait3A_189 = tpu.memref_slice %arg3[%dma_wait3A_187, %dma_wait3A_188] : memref<320000x100xf32, #tpu.memory_space<hbm>> -> memref<80x100xf32, #tpu.memory_space<hbm>>
      tpu.wait_dma2 semaphore(%arg26 : memref<!tpu.dma_semaphore, #tpu.memory_space<semaphore_mem>>) src(%dma_wait3A_189 : memref<80x100xf32, #tpu.memory_space<hbm>>) dst(%arg16 : memref<80x100xf32, #tpu.memory_space<vmem>>)
      %dma_wait3A_190 = arith.constant 0 : i32
      %dma_wait3A_191 = arith.constant 0 : i32
      %dma_wait3A_192 = tpu.memref_slice %arg4[%dma_wait3A_190, %dma_wait3A_191] : memref<320000x100xf32, #tpu.memory_space<hbm>> -> memref<80x100xf32, #tpu.memory_space<hbm>>
      %dma_wait3A_193 = arith.constant 0 : i32
      %dma_wait3A_194 = arith.constant 0 : i32
      %dma_wait3A_195 = tpu.memref_slice %arg4[%dma_wait3A_193, %dma_wait3A_194] : memref<320000x100xf32, #tpu.memory_space<hbm>> -> memref<80x100xf32, #tpu.memory_space<hbm>>
      tpu.wait_dma2 semaphore(%arg26 : memref<!tpu.dma_semaphore, #tpu.memory_space<semaphore_mem>>) src(%dma_wait3A_195 : memref<80x100xf32, #tpu.memory_space<hbm>>) dst(%arg17 : memref<80x100xf32, #tpu.memory_space<vmem>>)
      %dma_wait3A_196 = arith.constant 0 : i32
      %dma_wait3A_197 = tpu.memref_slice %arg5[%dma_wait3A_196] : memref<320000xf32, #tpu.memory_space<hbm>> -> memref<80xf32, #tpu.memory_space<hbm>>
      %dma_wait3A_198 = arith.constant 0 : i32
      %dma_wait3A_199 = tpu.memref_slice %arg5[%dma_wait3A_198] : memref<320000xf32, #tpu.memory_space<hbm>> -> memref<80xf32, #tpu.memory_space<hbm>>
      tpu.wait_dma2 semaphore(%arg26 : memref<!tpu.dma_semaphore, #tpu.memory_space<semaphore_mem>>) src(%dma_wait3A_199 : memref<80xf32, #tpu.memory_space<hbm>>) dst(%arg18 : memref<80xf32, #tpu.memory_space<vmem>>)
      %scan3A_200 = arith.constant 0 : i32
      %scan3A_201 = arith.constant 5 : i32
      %scan3A_202 = arith.addi %scan3A_200, %scan3A_201 : i32
      %scan3A_203 = arith.constant 1 : i32
      scf.for %scan3A_253 = %scan3A_200 to %scan3A_202 step %scan3A_203  : i32 {
        %mul3A_254 = arith.constant 16 : i32
        %mul3A_255 = arith.muli %scan3A_253, %mul3A_254 : i32
        %add3A_256 = vector.broadcast %mul3A_255 : i32 to vector<16xi32>
        %add3A_257 = arith.addi %add3A_256, %iota3A : vector<16xi32>
        %get3A = arith.index_cast %mul3A_255 : i32 to index
        %get3A_258 = tpu.vector_load %arg18[%get3A] {strides = array<i32>} : memref<80xf32, #tpu.memory_space<vmem>>, vector<16xf32>,
        %broadcast_in_dim3A = arith.constant 100 : i32
        %broadcast_in_dim3A_259 = vector.broadcast %broadcast_in_dim3A : i32 to vector<16xi32>
        %while3A = arith.constant 0 : i32
        %while3A_260:2 = scf.while (%while3A_270 = %while3A, %while3A_271 = %broadcast_in_dim3A_259) : (i32, vector<16xi32>) -> (i32, vector<16xi32>) {
          %lt3A_272 = arith.constant 25 : i32
          %lt3A_273 = arith.cmpi slt, %while3A_270, %lt3A_272 : i32
          %reduce_max3A = arith.constant true
          %reduce_max3A_274 = vector.broadcast %reduce_max3A : i1 to vector<16xi1>
          %reduce_max3A_275 = arith.constant -2147483648 : i32
          %reduce_max3A_276 = vector.broadcast %reduce_max3A_275 : i32 to vector<16xi32>
          %reduce_max3A_277 = arith.xori %while3A_271, %reduce_max3A_276 : vector<16xi32>
          %reduce_max3A_278 = tpu.scan <max>, %reduce_max3A_277 masked %reduce_max3A_274 : vector<16xi32>, vector<16xi1> -> vector<16xi32>
          %reduce_max3A_279 = arith.xori %reduce_max3A_278, %reduce_max3A_276 : vector<16xi32>
          %reduce_max3A_280 = vector.extract %reduce_max3A_279[15] : i32 from vector<16xi32>
          %ge3A_281 = arith.constant 100 : i32
          %ge3A_282 = arith.cmpi sge, %reduce_max3A_280, %ge3A_281 : i32
          %and3A = arith.andi %lt3A_273, %ge3A_282 : i1
          scf.condition(%and3A) %while3A_270, %while3A_271 : i32, vector<16xi32>
        } do {
        ^bb0(%while3A_270: i32, %while3A_271: vector<16xi32>):
          %mul3A_272 = arith.constant 4 : i32
          %mul3A_273 = arith.muli %while3A_270, %mul3A_272 : i32
          %add3A_274 = arith.constant 0 : i32
          %add3A_275 = arith.addi %mul3A_273, %add3A_274 : i32
          %broadcast_in_dim3A_276 = vector.broadcast %add3A_275 : i32 to vector<16xi32>
          %gather3A_277 = tpu.vector_load_idx %arg15[%add3A_257, %broadcast_in_dim3A_276] : memref<80x100xf32, #tpu.memory_space<vmem>>[vector<16xi32>, vector<16xi32>], vector<16xf32>,
          %gather3A_278 = tpu.vector_load_idx %arg16[%add3A_257, %broadcast_in_dim3A_276] : memref<80x100xf32, #tpu.memory_space<vmem>>[vector<16xi32>, vector<16xi32>], vector<16xf32>,
          %mul3A_279 = arith.mulf %gather3A_277, %get3A_258 : vector<16xf32>
          %div3A = arith.divf %mul3A_279, %gather3A_278 : vector<16xf32>
          %lt3A_280 = arith.constant 1.000000e+00 : f32
          %lt3A_281 = vector.broadcast %lt3A_280 : f32 to vector<16xf32>
          %lt3A_282 = arith.cmpf olt, %div3A, %lt3A_281 : vector<16xf32>
          %broadcast_in_dim3A_283 = arith.constant 100 : i32
          %broadcast_in_dim3A_284 = vector.broadcast %broadcast_in_dim3A_283 : i32 to vector<16xi32>
          %select_n3A_285 = arith.select %lt3A_282, %broadcast_in_dim3A_276, %broadcast_in_dim3A_284 : vector<16xi1>, vector<16xi32>
          %min3A_286 = arith.minsi %while3A_271, %select_n3A_285 : vector<16xi32>
          %add3A_287 = arith.constant 1 : i32
          %add3A_288 = arith.addi %mul3A_273, %add3A_287 : i32
          %broadcast_in_dim3A_289 = vector.broadcast %add3A_288 : i32 to vector<16xi32>
          %gather3A_290 = tpu.vector_load_idx %arg15[%add3A_257, %broadcast_in_dim3A_289] : memref<80x100xf32, #tpu.memory_space<vmem>>[vector<16xi32>, vector<16xi32>], vector<16xf32>,
          %gather3A_291 = tpu.vector_load_idx %arg16[%add3A_257, %broadcast_in_dim3A_289] : memref<80x100xf32, #tpu.memory_space<vmem>>[vector<16xi32>, vector<16xi32>], vector<16xf32>,
          %mul3A_292 = arith.mulf %gather3A_290, %get3A_258 : vector<16xf32>
          %div3A_293 = arith.divf %mul3A_292, %gather3A_291 : vector<16xf32>
          %lt3A_294 = arith.constant 1.000000e+00 : f32
          %lt3A_295 = vector.broadcast %lt3A_294 : f32 to vector<16xf32>
          %lt3A_296 = arith.cmpf olt, %div3A_293, %lt3A_295 : vector<16xf32>
          %broadcast_in_dim3A_297 = arith.constant 100 : i32
          %broadcast_in_dim3A_298 = vector.broadcast %broadcast_in_dim3A_297 : i32 to vector<16xi32>
          %select_n3A_299 = arith.select %lt3A_296, %broadcast_in_dim3A_289, %broadcast_in_dim3A_298 : vector<16xi1>, vector<16xi32>
          %min3A_300 = arith.minsi %min3A_286, %select_n3A_299 : vector<16xi32>
          %add3A_301 = arith.constant 2 : i32
          %add3A_302 = arith.addi %mul3A_273, %add3A_301 : i32
          %broadcast_in_dim3A_303 = vector.broadcast %add3A_302 : i32 to vector<16xi32>
          %gather3A_304 = tpu.vector_load_idx %arg15[%add3A_257, %broadcast_in_dim3A_303] : memref<80x100xf32, #tpu.memory_space<vmem>>[vector<16xi32>, vector<16xi32>], vector<16xf32>,
          %gather3A_305 = tpu.vector_load_idx %arg16[%add3A_257, %broadcast_in_dim3A_303] : memref<80x100xf32, #tpu.memory_space<vmem>>[vector<16xi32>, vector<16xi32>], vector<16xf32>,
          %mul3A_306 = arith.mulf %gather3A_304, %get3A_258 : vector<16xf32>
          %div3A_307 = arith.divf %mul3A_306, %gather3A_305 : vector<16xf32>
          %lt3A_308 = arith.constant 1.000000e+00 : f32
          %lt3A_309 = vector.broadcast %lt3A_308 : f32 to vector<16xf32>
          %lt3A_310 = arith.cmpf olt, %div3A_307, %lt3A_309 : vector<16xf32>
          %broadcast_in_dim3A_311 = arith.constant 100 : i32
          %broadcast_in_dim3A_312 = vector.broadcast %broadcast_in_dim3A_311 : i32 to vector<16xi32>
          %select_n3A_313 = arith.select %lt3A_310, %broadcast_in_dim3A_303, %broadcast_in_dim3A_312 : vector<16xi1>, vector<16xi32>
          %min3A_314 = arith.minsi %min3A_300, %select_n3A_313 : vector<16xi32>
          %add3A_315 = arith.constant 3 : i32
          %add3A_316 = arith.addi %mul3A_273, %add3A_315 : i32
          %broadcast_in_dim3A_317 = vector.broadcast %add3A_316 : i32 to vector<16xi32>
          %gather3A_318 = tpu.vector_load_idx %arg15[%add3A_257, %broadcast_in_dim3A_317] : memref<80x100xf32, #tpu.memory_space<vmem>>[vector<16xi32>, vector<16xi32>], vector<16xf32>,
          %gather3A_319 = tpu.vector_load_idx %arg16[%add3A_257, %broadcast_in_dim3A_317] : memref<80x100xf32, #tpu.memory_space<vmem>>[vector<16xi32>, vector<16xi32>], vector<16xf32>,
          %mul3A_320 = arith.mulf %gather3A_318, %get3A_258 : vector<16xf32>
          %div3A_321 = arith.divf %mul3A_320, %gather3A_319 : vector<16xf32>
          %lt3A_322 = arith.constant 1.000000e+00 : f32
          %lt3A_323 = vector.broadcast %lt3A_322 : f32 to vector<16xf32>
          %lt3A_324 = arith.cmpf olt, %div3A_321, %lt3A_323 : vector<16xf32>
          %broadcast_in_dim3A_325 = arith.constant 100 : i32
          %broadcast_in_dim3A_326 = vector.broadcast %broadcast_in_dim3A_325 : i32 to vector<16xi32>
          %select_n3A_327 = arith.select %lt3A_324, %broadcast_in_dim3A_317, %broadcast_in_dim3A_326 : vector<16xi1>, vector<16xi32>
          %min3A_328 = arith.minsi %min3A_314, %select_n3A_327 : vector<16xi32>
          %add3A_329 = arith.constant 1 : i32
          %add3A_330 = arith.addi %while3A_270, %add3A_329 : i32
          scf.yield %add3A_330, %min3A_328 : i32, vector<16xi32>
        }
        %broadcast_in_dim3A_261 = arith.constant 99 : i32
        %broadcast_in_dim3A_262 = vector.broadcast %broadcast_in_dim3A_261 : i32 to vector<16xi32>
        %min3A = arith.minsi %while3A_260#1, %broadcast_in_dim3A_262 : vector<16xi32>
        %gather3A = tpu.vector_load_idx %arg17[%add3A_257, %min3A] : memref<80x100xf32, #tpu.memory_space<vmem>>[vector<16xi32>, vector<16xi32>], vector<16xf32>,
        %ge3A = arith.constant 100 : i32
        %ge3A_263 = vector.broadcast %ge3A : i32 to vector<16xi32>
        %ge3A_264 = arith.cmpi sge, %while3A_260#1, %ge3A_263 : vector<16xi32>
        %broadcast_in_dim3A_265 = arith.constant 1.000000e+01 : f32
        %broadcast_in_dim3A_266 = vector.broadcast %broadcast_in_dim3A_265 : f32 to vector<16xf32>
        %select_n3A = arith.select %ge3A_264, %broadcast_in_dim3A_266, %gather3A : vector<16xi1>, vector<16xf32>
        %add3A_267 = arith.constant 160 : i32
        %add3A_268 = arith.addi %add3A_267, %mul3A_255 : i32
        %swap3A = arith.index_cast %add3A_268 : i32 to index
        %swap3A_269 = tpu.vector_load %arg23[%swap3A] {strides = array<i32>} : memref<320xf32, #tpu.memory_space<vmem>>, vector<16xf32>,
        tpu.vector_store %arg23[%swap3A], %select_n3A {strides = array<i32>} : memref<320xf32, #tpu.memory_space<vmem>>, vector<16xf32>,
      }
      %scan3A_204 = arith.constant 5 : i32
      %add3A_205 = arith.constant 4 : i32
      %add3A_206 = arith.addi %add3A_177, %add3A_205 : i32
      %lt3A_207 = arith.constant 125 : i32
      %lt3A_208 = arith.cmpi slt, %add3A_206, %lt3A_207 : i32
      %convert_element_type3A_209 = arith.extui %lt3A_208 : i1 to i32
      %cond3A_210 = arith.constant 0 : i32
      %cond3A_211 = arith.cmpi ne, %convert_element_type3A_209, %cond3A_210 : i32
      scf.if %cond3A_211 {
        %add3A_253 = arith.constant 4 : i32
        %add3A_254 = arith.addi %add3A_177, %add3A_253 : i32
        %mul3A_255 = arith.constant 80 : i32
        %mul3A_256 = arith.muli %add3A_254, %mul3A_255 : i32
        %add3A_257 = arith.addi %mul3A_2, %mul3A_256 : i32
        %dma_start3A_258 = arith.constant 0 : i32
        %dma_start3A_259 = tpu.memref_slice %arg2[%add3A_257, %dma_start3A_258] : memref<320000x100xf32, #tpu.memory_space<hbm>> -> memref<80x100xf32, #tpu.memory_space<hbm>>
        %dma_start3A_260 = arith.constant 0 : i32
        %dma_start3A_261 = tpu.memref_slice %arg2[%add3A_257, %dma_start3A_260] : memref<320000x100xf32, #tpu.memory_space<hbm>> -> memref<80x100xf32, #tpu.memory_space<hbm>>
        tpu.enqueue_dma source(%dma_start3A_261 : memref<80x100xf32, #tpu.memory_space<hbm>>) target(%arg15 : memref<80x100xf32, #tpu.memory_space<vmem>>) target_semaphore(%arg26 : memref<!tpu.dma_semaphore, #tpu.memory_space<semaphore_mem>>)
        %dma_start3A_262 = arith.constant 0 : i32
        %dma_start3A_263 = tpu.memref_slice %arg3[%add3A_257, %dma_start3A_262] : memref<320000x100xf32, #tpu.memory_space<hbm>> -> memref<80x100xf32, #tpu.memory_space<hbm>>
        %dma_start3A_264 = arith.constant 0 : i32
        %dma_start3A_265 = tpu.memref_slice %arg3[%add3A_257, %dma_start3A_264] : memref<320000x100xf32, #tpu.memory_space<hbm>> -> memref<80x100xf32, #tpu.memory_space<hbm>>
        tpu.enqueue_dma source(%dma_start3A_265 : memref<80x100xf32, #tpu.memory_space<hbm>>) target(%arg16 : memref<80x100xf32, #tpu.memory_space<vmem>>) target_semaphore(%arg26 : memref<!tpu.dma_semaphore, #tpu.memory_space<semaphore_mem>>)
        %dma_start3A_266 = arith.constant 0 : i32
        %dma_start3A_267 = tpu.memref_slice %arg4[%add3A_257, %dma_start3A_266] : memref<320000x100xf32, #tpu.memory_space<hbm>> -> memref<80x100xf32, #tpu.memory_space<hbm>>
        %dma_start3A_268 = arith.constant 0 : i32
        %dma_start3A_269 = tpu.memref_slice %arg4[%add3A_257, %dma_start3A_268] : memref<320000x100xf32, #tpu.memory_space<hbm>> -> memref<80x100xf32, #tpu.memory_space<hbm>>
        tpu.enqueue_dma source(%dma_start3A_269 : memref<80x100xf32, #tpu.memory_space<hbm>>) target(%arg17 : memref<80x100xf32, #tpu.memory_space<vmem>>) target_semaphore(%arg26 : memref<!tpu.dma_semaphore, #tpu.memory_space<semaphore_mem>>)
        %dma_start3A_270 = tpu.memref_slice %arg5[%add3A_257] : memref<320000xf32, #tpu.memory_space<hbm>> -> memref<80xf32, #tpu.memory_space<hbm>>
        %dma_start3A_271 = tpu.memref_slice %arg5[%add3A_257] : memref<320000xf32, #tpu.memory_space<hbm>> -> memref<80xf32, #tpu.memory_space<hbm>>
        tpu.enqueue_dma source(%dma_start3A_271 : memref<80xf32, #tpu.memory_space<hbm>>) target(%arg18 : memref<80xf32, #tpu.memory_space<vmem>>) target_semaphore(%arg26 : memref<!tpu.dma_semaphore, #tpu.memory_space<semaphore_mem>>)
      } else {
      }
      %add3A_212 = arith.constant 3 : i32
      %add3A_213 = arith.addi %mul3A_104, %add3A_212 : i32
      %dma_wait3A_214 = arith.constant 0 : i32
      %dma_wait3A_215 = arith.constant 0 : i32
      %dma_wait3A_216 = tpu.memref_slice %arg2[%dma_wait3A_214, %dma_wait3A_215] : memref<320000x100xf32, #tpu.memory_space<hbm>> -> memref<80x100xf32, #tpu.memory_space<hbm>>
      %dma_wait3A_217 = arith.constant 0 : i32
      %dma_wait3A_218 = arith.constant 0 : i32
      %dma_wait3A_219 = tpu.memref_slice %arg2[%dma_wait3A_217, %dma_wait3A_218] : memref<320000x100xf32, #tpu.memory_space<hbm>> -> memref<80x100xf32, #tpu.memory_space<hbm>>
      tpu.wait_dma2 semaphore(%arg27 : memref<!tpu.dma_semaphore, #tpu.memory_space<semaphore_mem>>) src(%dma_wait3A_219 : memref<80x100xf32, #tpu.memory_space<hbm>>) dst(%arg19 : memref<80x100xf32, #tpu.memory_space<vmem>>)
      %dma_wait3A_220 = arith.constant 0 : i32
      %dma_wait3A_221 = arith.constant 0 : i32
      %dma_wait3A_222 = tpu.memref_slice %arg3[%dma_wait3A_220, %dma_wait3A_221] : memref<320000x100xf32, #tpu.memory_space<hbm>> -> memref<80x100xf32, #tpu.memory_space<hbm>>
      %dma_wait3A_223 = arith.constant 0 : i32
      %dma_wait3A_224 = arith.constant 0 : i32
      %dma_wait3A_225 = tpu.memref_slice %arg3[%dma_wait3A_223, %dma_wait3A_224] : memref<320000x100xf32, #tpu.memory_space<hbm>> -> memref<80x100xf32, #tpu.memory_space<hbm>>
      tpu.wait_dma2 semaphore(%arg27 : memref<!tpu.dma_semaphore, #tpu.memory_space<semaphore_mem>>) src(%dma_wait3A_225 : memref<80x100xf32, #tpu.memory_space<hbm>>) dst(%arg20 : memref<80x100xf32, #tpu.memory_space<vmem>>)
      %dma_wait3A_226 = arith.constant 0 : i32
      %dma_wait3A_227 = arith.constant 0 : i32
      %dma_wait3A_228 = tpu.memref_slice %arg4[%dma_wait3A_226, %dma_wait3A_227] : memref<320000x100xf32, #tpu.memory_space<hbm>> -> memref<80x100xf32, #tpu.memory_space<hbm>>
      %dma_wait3A_229 = arith.constant 0 : i32
      %dma_wait3A_230 = arith.constant 0 : i32
      %dma_wait3A_231 = tpu.memref_slice %arg4[%dma_wait3A_229, %dma_wait3A_230] : memref<320000x100xf32, #tpu.memory_space<hbm>> -> memref<80x100xf32, #tpu.memory_space<hbm>>
      tpu.wait_dma2 semaphore(%arg27 : memref<!tpu.dma_semaphore, #tpu.memory_space<semaphore_mem>>) src(%dma_wait3A_231 : memref<80x100xf32, #tpu.memory_space<hbm>>) dst(%arg21 : memref<80x100xf32, #tpu.memory_space<vmem>>)
      %dma_wait3A_232 = arith.constant 0 : i32
      %dma_wait3A_233 = tpu.memref_slice %arg5[%dma_wait3A_232] : memref<320000xf32, #tpu.memory_space<hbm>> -> memref<80xf32, #tpu.memory_space<hbm>>
      %dma_wait3A_234 = arith.constant 0 : i32
      %dma_wait3A_235 = tpu.memref_slice %arg5[%dma_wait3A_234] : memref<320000xf32, #tpu.memory_space<hbm>> -> memref<80xf32, #tpu.memory_space<hbm>>
      tpu.wait_dma2 semaphore(%arg27 : memref<!tpu.dma_semaphore, #tpu.memory_space<semaphore_mem>>) src(%dma_wait3A_235 : memref<80xf32, #tpu.memory_space<hbm>>) dst(%arg22 : memref<80xf32, #tpu.memory_space<vmem>>)
      %scan3A_236 = arith.constant 0 : i32
      %scan3A_237 = arith.constant 5 : i32
      %scan3A_238 = arith.addi %scan3A_236, %scan3A_237 : i32
      %scan3A_239 = arith.constant 1 : i32
      scf.for %scan3A_253 = %scan3A_236 to %scan3A_238 step %scan3A_239  : i32 {
        %mul3A_254 = arith.constant 16 : i32
        %mul3A_255 = arith.muli %scan3A_253, %mul3A_254 : i32
        %add3A_256 = vector.broadcast %mul3A_255 : i32 to vector<16xi32>
        %add3A_257 = arith.addi %add3A_256, %iota3A : vector<16xi32>
        %get3A = arith.index_cast %mul3A_255 : i32 to index
        %get3A_258 = tpu.vector_load %arg22[%get3A] {strides = array<i32>} : memref<80xf32, #tpu.memory_space<vmem>>, vector<16xf32>,
        %broadcast_in_dim3A = arith.constant 100 : i32
        %broadcast_in_dim3A_259 = vector.broadcast %broadcast_in_dim3A : i32 to vector<16xi32>
        %while3A = arith.constant 0 : i32
        %while3A_260:2 = scf.while (%while3A_270 = %while3A, %while3A_271 = %broadcast_in_dim3A_259) : (i32, vector<16xi32>) -> (i32, vector<16xi32>) {
          %lt3A_272 = arith.constant 25 : i32
          %lt3A_273 = arith.cmpi slt, %while3A_270, %lt3A_272 : i32
          %reduce_max3A = arith.constant true
          %reduce_max3A_274 = vector.broadcast %reduce_max3A : i1 to vector<16xi1>
          %reduce_max3A_275 = arith.constant -2147483648 : i32
          %reduce_max3A_276 = vector.broadcast %reduce_max3A_275 : i32 to vector<16xi32>
          %reduce_max3A_277 = arith.xori %while3A_271, %reduce_max3A_276 : vector<16xi32>
          %reduce_max3A_278 = tpu.scan <max>, %reduce_max3A_277 masked %reduce_max3A_274 : vector<16xi32>, vector<16xi1> -> vector<16xi32>
          %reduce_max3A_279 = arith.xori %reduce_max3A_278, %reduce_max3A_276 : vector<16xi32>
          %reduce_max3A_280 = vector.extract %reduce_max3A_279[15] : i32 from vector<16xi32>
          %ge3A_281 = arith.constant 100 : i32
          %ge3A_282 = arith.cmpi sge, %reduce_max3A_280, %ge3A_281 : i32
          %and3A = arith.andi %lt3A_273, %ge3A_282 : i1
          scf.condition(%and3A) %while3A_270, %while3A_271 : i32, vector<16xi32>
        } do {
        ^bb0(%while3A_270: i32, %while3A_271: vector<16xi32>):
          %mul3A_272 = arith.constant 4 : i32
          %mul3A_273 = arith.muli %while3A_270, %mul3A_272 : i32
          %add3A_274 = arith.constant 0 : i32
          %add3A_275 = arith.addi %mul3A_273, %add3A_274 : i32
          %broadcast_in_dim3A_276 = vector.broadcast %add3A_275 : i32 to vector<16xi32>
          %gather3A_277 = tpu.vector_load_idx %arg19[%add3A_257, %broadcast_in_dim3A_276] : memref<80x100xf32, #tpu.memory_space<vmem>>[vector<16xi32>, vector<16xi32>], vector<16xf32>,
          %gather3A_278 = tpu.vector_load_idx %arg20[%add3A_257, %broadcast_in_dim3A_276] : memref<80x100xf32, #tpu.memory_space<vmem>>[vector<16xi32>, vector<16xi32>], vector<16xf32>,
          %mul3A_279 = arith.mulf %gather3A_277, %get3A_258 : vector<16xf32>
          %div3A = arith.divf %mul3A_279, %gather3A_278 : vector<16xf32>
          %lt3A_280 = arith.constant 1.000000e+00 : f32
          %lt3A_281 = vector.broadcast %lt3A_280 : f32 to vector<16xf32>
          %lt3A_282 = arith.cmpf olt, %div3A, %lt3A_281 : vector<16xf32>
          %broadcast_in_dim3A_283 = arith.constant 100 : i32
          %broadcast_in_dim3A_284 = vector.broadcast %broadcast_in_dim3A_283 : i32 to vector<16xi32>
          %select_n3A_285 = arith.select %lt3A_282, %broadcast_in_dim3A_276, %broadcast_in_dim3A_284 : vector<16xi1>, vector<16xi32>
          %min3A_286 = arith.minsi %while3A_271, %select_n3A_285 : vector<16xi32>
          %add3A_287 = arith.constant 1 : i32
          %add3A_288 = arith.addi %mul3A_273, %add3A_287 : i32
          %broadcast_in_dim3A_289 = vector.broadcast %add3A_288 : i32 to vector<16xi32>
          %gather3A_290 = tpu.vector_load_idx %arg19[%add3A_257, %broadcast_in_dim3A_289] : memref<80x100xf32, #tpu.memory_space<vmem>>[vector<16xi32>, vector<16xi32>], vector<16xf32>,
          %gather3A_291 = tpu.vector_load_idx %arg20[%add3A_257, %broadcast_in_dim3A_289] : memref<80x100xf32, #tpu.memory_space<vmem>>[vector<16xi32>, vector<16xi32>], vector<16xf32>,
          %mul3A_292 = arith.mulf %gather3A_290, %get3A_258 : vector<16xf32>
          %div3A_293 = arith.divf %mul3A_292, %gather3A_291 : vector<16xf32>
          %lt3A_294 = arith.constant 1.000000e+00 : f32
          %lt3A_295 = vector.broadcast %lt3A_294 : f32 to vector<16xf32>
          %lt3A_296 = arith.cmpf olt, %div3A_293, %lt3A_295 : vector<16xf32>
          %broadcast_in_dim3A_297 = arith.constant 100 : i32
          %broadcast_in_dim3A_298 = vector.broadcast %broadcast_in_dim3A_297 : i32 to vector<16xi32>
          %select_n3A_299 = arith.select %lt3A_296, %broadcast_in_dim3A_289, %broadcast_in_dim3A_298 : vector<16xi1>, vector<16xi32>
          %min3A_300 = arith.minsi %min3A_286, %select_n3A_299 : vector<16xi32>
          %add3A_301 = arith.constant 2 : i32
          %add3A_302 = arith.addi %mul3A_273, %add3A_301 : i32
          %broadcast_in_dim3A_303 = vector.broadcast %add3A_302 : i32 to vector<16xi32>
          %gather3A_304 = tpu.vector_load_idx %arg19[%add3A_257, %broadcast_in_dim3A_303] : memref<80x100xf32, #tpu.memory_space<vmem>>[vector<16xi32>, vector<16xi32>], vector<16xf32>,
          %gather3A_305 = tpu.vector_load_idx %arg20[%add3A_257, %broadcast_in_dim3A_303] : memref<80x100xf32, #tpu.memory_space<vmem>>[vector<16xi32>, vector<16xi32>], vector<16xf32>,
          %mul3A_306 = arith.mulf %gather3A_304, %get3A_258 : vector<16xf32>
          %div3A_307 = arith.divf %mul3A_306, %gather3A_305 : vector<16xf32>
          %lt3A_308 = arith.constant 1.000000e+00 : f32
          %lt3A_309 = vector.broadcast %lt3A_308 : f32 to vector<16xf32>
          %lt3A_310 = arith.cmpf olt, %div3A_307, %lt3A_309 : vector<16xf32>
          %broadcast_in_dim3A_311 = arith.constant 100 : i32
          %broadcast_in_dim3A_312 = vector.broadcast %broadcast_in_dim3A_311 : i32 to vector<16xi32>
          %select_n3A_313 = arith.select %lt3A_310, %broadcast_in_dim3A_303, %broadcast_in_dim3A_312 : vector<16xi1>, vector<16xi32>
          %min3A_314 = arith.minsi %min3A_300, %select_n3A_313 : vector<16xi32>
          %add3A_315 = arith.constant 3 : i32
          %add3A_316 = arith.addi %mul3A_273, %add3A_315 : i32
          %broadcast_in_dim3A_317 = vector.broadcast %add3A_316 : i32 to vector<16xi32>
          %gather3A_318 = tpu.vector_load_idx %arg19[%add3A_257, %broadcast_in_dim3A_317] : memref<80x100xf32, #tpu.memory_space<vmem>>[vector<16xi32>, vector<16xi32>], vector<16xf32>,
          %gather3A_319 = tpu.vector_load_idx %arg20[%add3A_257, %broadcast_in_dim3A_317] : memref<80x100xf32, #tpu.memory_space<vmem>>[vector<16xi32>, vector<16xi32>], vector<16xf32>,
          %mul3A_320 = arith.mulf %gather3A_318, %get3A_258 : vector<16xf32>
          %div3A_321 = arith.divf %mul3A_320, %gather3A_319 : vector<16xf32>
          %lt3A_322 = arith.constant 1.000000e+00 : f32
          %lt3A_323 = vector.broadcast %lt3A_322 : f32 to vector<16xf32>
          %lt3A_324 = arith.cmpf olt, %div3A_321, %lt3A_323 : vector<16xf32>
          %broadcast_in_dim3A_325 = arith.constant 100 : i32
          %broadcast_in_dim3A_326 = vector.broadcast %broadcast_in_dim3A_325 : i32 to vector<16xi32>
          %select_n3A_327 = arith.select %lt3A_324, %broadcast_in_dim3A_317, %broadcast_in_dim3A_326 : vector<16xi1>, vector<16xi32>
          %min3A_328 = arith.minsi %min3A_314, %select_n3A_327 : vector<16xi32>
          %add3A_329 = arith.constant 1 : i32
          %add3A_330 = arith.addi %while3A_270, %add3A_329 : i32
          scf.yield %add3A_330, %min3A_328 : i32, vector<16xi32>
        }
        %broadcast_in_dim3A_261 = arith.constant 99 : i32
        %broadcast_in_dim3A_262 = vector.broadcast %broadcast_in_dim3A_261 : i32 to vector<16xi32>
        %min3A = arith.minsi %while3A_260#1, %broadcast_in_dim3A_262 : vector<16xi32>
        %gather3A = tpu.vector_load_idx %arg21[%add3A_257, %min3A] : memref<80x100xf32, #tpu.memory_space<vmem>>[vector<16xi32>, vector<16xi32>], vector<16xf32>,
        %ge3A = arith.constant 100 : i32
        %ge3A_263 = vector.broadcast %ge3A : i32 to vector<16xi32>
        %ge3A_264 = arith.cmpi sge, %while3A_260#1, %ge3A_263 : vector<16xi32>
        %broadcast_in_dim3A_265 = arith.constant 1.000000e+01 : f32
        %broadcast_in_dim3A_266 = vector.broadcast %broadcast_in_dim3A_265 : f32 to vector<16xf32>
        %select_n3A = arith.select %ge3A_264, %broadcast_in_dim3A_266, %gather3A : vector<16xi1>, vector<16xf32>
        %add3A_267 = arith.constant 240 : i32
        %add3A_268 = arith.addi %add3A_267, %mul3A_255 : i32
        %swap3A = arith.index_cast %add3A_268 : i32 to index
        %swap3A_269 = tpu.vector_load %arg23[%swap3A] {strides = array<i32>} : memref<320xf32, #tpu.memory_space<vmem>>, vector<16xf32>,
        tpu.vector_store %arg23[%swap3A], %select_n3A {strides = array<i32>} : memref<320xf32, #tpu.memory_space<vmem>>, vector<16xf32>,
      }
      %scan3A_240 = arith.constant 5 : i32
      %add3A_241 = arith.constant 4 : i32
      %add3A_242 = arith.addi %add3A_213, %add3A_241 : i32
      %lt3A_243 = arith.constant 125 : i32
      %lt3A_244 = arith.cmpi slt, %add3A_242, %lt3A_243 : i32
      %convert_element_type3A_245 = arith.extui %lt3A_244 : i1 to i32
      %cond3A_246 = arith.constant 0 : i32
      %cond3A_247 = arith.cmpi ne, %convert_element_type3A_245, %cond3A_246 : i32
      scf.if %cond3A_247 {
        %add3A_253 = arith.constant 4 : i32
        %add3A_254 = arith.addi %add3A_213, %add3A_253 : i32
        %mul3A_255 = arith.constant 80 : i32
        %mul3A_256 = arith.muli %add3A_254, %mul3A_255 : i32
        %add3A_257 = arith.addi %mul3A_2, %mul3A_256 : i32
        %dma_start3A_258 = arith.constant 0 : i32
        %dma_start3A_259 = tpu.memref_slice %arg2[%add3A_257, %dma_start3A_258] : memref<320000x100xf32, #tpu.memory_space<hbm>> -> memref<80x100xf32, #tpu.memory_space<hbm>>
        %dma_start3A_260 = arith.constant 0 : i32
        %dma_start3A_261 = tpu.memref_slice %arg2[%add3A_257, %dma_start3A_260] : memref<320000x100xf32, #tpu.memory_space<hbm>> -> memref<80x100xf32, #tpu.memory_space<hbm>>
        tpu.enqueue_dma source(%dma_start3A_261 : memref<80x100xf32, #tpu.memory_space<hbm>>) target(%arg19 : memref<80x100xf32, #tpu.memory_space<vmem>>) target_semaphore(%arg27 : memref<!tpu.dma_semaphore, #tpu.memory_space<semaphore_mem>>)
        %dma_start3A_262 = arith.constant 0 : i32
        %dma_start3A_263 = tpu.memref_slice %arg3[%add3A_257, %dma_start3A_262] : memref<320000x100xf32, #tpu.memory_space<hbm>> -> memref<80x100xf32, #tpu.memory_space<hbm>>
        %dma_start3A_264 = arith.constant 0 : i32
        %dma_start3A_265 = tpu.memref_slice %arg3[%add3A_257, %dma_start3A_264] : memref<320000x100xf32, #tpu.memory_space<hbm>> -> memref<80x100xf32, #tpu.memory_space<hbm>>
        tpu.enqueue_dma source(%dma_start3A_265 : memref<80x100xf32, #tpu.memory_space<hbm>>) target(%arg20 : memref<80x100xf32, #tpu.memory_space<vmem>>) target_semaphore(%arg27 : memref<!tpu.dma_semaphore, #tpu.memory_space<semaphore_mem>>)
        %dma_start3A_266 = arith.constant 0 : i32
        %dma_start3A_267 = tpu.memref_slice %arg4[%add3A_257, %dma_start3A_266] : memref<320000x100xf32, #tpu.memory_space<hbm>> -> memref<80x100xf32, #tpu.memory_space<hbm>>
        %dma_start3A_268 = arith.constant 0 : i32
        %dma_start3A_269 = tpu.memref_slice %arg4[%add3A_257, %dma_start3A_268] : memref<320000x100xf32, #tpu.memory_space<hbm>> -> memref<80x100xf32, #tpu.memory_space<hbm>>
        tpu.enqueue_dma source(%dma_start3A_269 : memref<80x100xf32, #tpu.memory_space<hbm>>) target(%arg21 : memref<80x100xf32, #tpu.memory_space<vmem>>) target_semaphore(%arg27 : memref<!tpu.dma_semaphore, #tpu.memory_space<semaphore_mem>>)
        %dma_start3A_270 = tpu.memref_slice %arg5[%add3A_257] : memref<320000xf32, #tpu.memory_space<hbm>> -> memref<80xf32, #tpu.memory_space<hbm>>
        %dma_start3A_271 = tpu.memref_slice %arg5[%add3A_257] : memref<320000xf32, #tpu.memory_space<hbm>> -> memref<80xf32, #tpu.memory_space<hbm>>
        tpu.enqueue_dma source(%dma_start3A_271 : memref<80xf32, #tpu.memory_space<hbm>>) target(%arg22 : memref<80xf32, #tpu.memory_space<vmem>>) target_semaphore(%arg27 : memref<!tpu.dma_semaphore, #tpu.memory_space<semaphore_mem>>)
      } else {
      }
      %mul3A_248 = arith.constant 80 : i32
      %mul3A_249 = arith.muli %mul3A_104, %mul3A_248 : i32
      %add3A_250 = arith.addi %mul3A_2, %mul3A_249 : i32
      %dma_start3A_251 = tpu.memref_slice %arg6[%add3A_250] : memref<320000xf32, #tpu.memory_space<hbm>> -> memref<320xf32, #tpu.memory_space<hbm>>
      %dma_start3A_252 = tpu.memref_slice %arg6[%add3A_250] : memref<320000xf32, #tpu.memory_space<hbm>> -> memref<320xf32, #tpu.memory_space<hbm>>
      tpu.enqueue_dma source(%arg23 : memref<320xf32, #tpu.memory_space<vmem>>) target(%dma_start3A_252 : memref<320xf32, #tpu.memory_space<hbm>>) target_semaphore(%arg28 : memref<!tpu.dma_semaphore, #tpu.memory_space<semaphore_mem>>)
    }
    %scan3A_69 = arith.constant 31 : i32
    %dma_wait3A = tpu.memref_slice %arg6[%mul3A_2] : memref<320000xf32, #tpu.memory_space<hbm>> -> memref<320xf32, #tpu.memory_space<hbm>>
    %dma_wait3A_70 = tpu.memref_slice %arg6[%mul3A_2] : memref<320000xf32, #tpu.memory_space<hbm>> -> memref<320xf32, #tpu.memory_space<hbm>>
    tpu.wait_dma2 semaphore(%arg28 : memref<!tpu.dma_semaphore, #tpu.memory_space<semaphore_mem>>) src(%arg23 : memref<320xf32, #tpu.memory_space<vmem>>) dst(%dma_wait3A_70 : memref<320xf32, #tpu.memory_space<hbm>>)
    %dma_wait3A_71 = arith.constant 0 : i32
    %dma_wait3A_72 = arith.constant 0 : i32
    %dma_wait3A_73 = tpu.memref_slice %arg2[%dma_wait3A_71, %dma_wait3A_72] : memref<320000x100xf32, #tpu.memory_space<hbm>> -> memref<80x100xf32, #tpu.memory_space<hbm>>
    %dma_wait3A_74 = arith.constant 0 : i32
    %dma_wait3A_75 = arith.constant 0 : i32
    %dma_wait3A_76 = tpu.memref_slice %arg2[%dma_wait3A_74, %dma_wait3A_75] : memref<320000x100xf32, #tpu.memory_space<hbm>> -> memref<80x100xf32, #tpu.memory_space<hbm>>
    tpu.wait_dma2 semaphore(%arg24 : memref<!tpu.dma_semaphore, #tpu.memory_space<semaphore_mem>>) src(%dma_wait3A_76 : memref<80x100xf32, #tpu.memory_space<hbm>>) dst(%arg7 : memref<80x100xf32, #tpu.memory_space<vmem>>)
    %dma_wait3A_77 = arith.constant 0 : i32
    %dma_wait3A_78 = arith.constant 0 : i32
    %dma_wait3A_79 = tpu.memref_slice %arg3[%dma_wait3A_77, %dma_wait3A_78] : memref<320000x100xf32, #tpu.memory_space<hbm>> -> memref<80x100xf32, #tpu.memory_space<hbm>>
    %dma_wait3A_80 = arith.constant 0 : i32
    %dma_wait3A_81 = arith.constant 0 : i32
    %dma_wait3A_82 = tpu.memref_slice %arg3[%dma_wait3A_80, %dma_wait3A_81] : memref<320000x100xf32, #tpu.memory_space<hbm>> -> memref<80x100xf32, #tpu.memory_space<hbm>>
    tpu.wait_dma2 semaphore(%arg24 : memref<!tpu.dma_semaphore, #tpu.memory_space<semaphore_mem>>) src(%dma_wait3A_82 : memref<80x100xf32, #tpu.memory_space<hbm>>) dst(%arg8 : memref<80x100xf32, #tpu.memory_space<vmem>>)
    %dma_wait3A_83 = arith.constant 0 : i32
    %dma_wait3A_84 = arith.constant 0 : i32
    %dma_wait3A_85 = tpu.memref_slice %arg4[%dma_wait3A_83, %dma_wait3A_84] : memref<320000x100xf32, #tpu.memory_space<hbm>> -> memref<80x100xf32, #tpu.memory_space<hbm>>
    %dma_wait3A_86 = arith.constant 0 : i32
    %dma_wait3A_87 = arith.constant 0 : i32
    %dma_wait3A_88 = tpu.memref_slice %arg4[%dma_wait3A_86, %dma_wait3A_87] : memref<320000x100xf32, #tpu.memory_space<hbm>> -> memref<80x100xf32, #tpu.memory_space<hbm>>
    tpu.wait_dma2 semaphore(%arg24 : memref<!tpu.dma_semaphore, #tpu.memory_space<semaphore_mem>>) src(%dma_wait3A_88 : memref<80x100xf32, #tpu.memory_space<hbm>>) dst(%arg9 : memref<80x100xf32, #tpu.memory_space<vmem>>)
    %dma_wait3A_89 = arith.constant 0 : i32
    %dma_wait3A_90 = tpu.memref_slice %arg5[%dma_wait3A_89] : memref<320000xf32, #tpu.memory_space<hbm>> -> memref<80xf32, #tpu.memory_space<hbm>>
    %dma_wait3A_91 = arith.constant 0 : i32
    %dma_wait3A_92 = tpu.memref_slice %arg5[%dma_wait3A_91] : memref<320000xf32, #tpu.memory_space<hbm>> -> memref<80xf32, #tpu.memory_space<hbm>>
    tpu.wait_dma2 semaphore(%arg24 : memref<!tpu.dma_semaphore, #tpu.memory_space<semaphore_mem>>) src(%dma_wait3A_92 : memref<80xf32, #tpu.memory_space<hbm>>) dst(%arg10 : memref<80xf32, #tpu.memory_space<vmem>>)
    %scan3A_93 = arith.constant 0 : i32
    %scan3A_94 = arith.constant 5 : i32
    %scan3A_95 = arith.addi %scan3A_93, %scan3A_94 : i32
    %scan3A_96 = arith.constant 1 : i32
    scf.for %scan3A_100 = %scan3A_93 to %scan3A_95 step %scan3A_96  : i32 {
      %mul3A_101 = arith.constant 16 : i32
      %mul3A_102 = arith.muli %scan3A_100, %mul3A_101 : i32
      %add3A_103 = vector.broadcast %mul3A_102 : i32 to vector<16xi32>
      %add3A_104 = arith.addi %add3A_103, %iota3A : vector<16xi32>
      %get3A = arith.index_cast %mul3A_102 : i32 to index
      %get3A_105 = tpu.vector_load %arg10[%get3A] {strides = array<i32>} : memref<80xf32, #tpu.memory_space<vmem>>, vector<16xf32>,
      %broadcast_in_dim3A = arith.constant 100 : i32
      %broadcast_in_dim3A_106 = vector.broadcast %broadcast_in_dim3A : i32 to vector<16xi32>
      %while3A = arith.constant 0 : i32
      %while3A_107:2 = scf.while (%while3A_117 = %while3A, %while3A_118 = %broadcast_in_dim3A_106) : (i32, vector<16xi32>) -> (i32, vector<16xi32>) {
        %lt3A = arith.constant 25 : i32
        %lt3A_119 = arith.cmpi slt, %while3A_117, %lt3A : i32
        %reduce_max3A = arith.constant true
        %reduce_max3A_120 = vector.broadcast %reduce_max3A : i1 to vector<16xi1>
        %reduce_max3A_121 = arith.constant -2147483648 : i32
        %reduce_max3A_122 = vector.broadcast %reduce_max3A_121 : i32 to vector<16xi32>
        %reduce_max3A_123 = arith.xori %while3A_118, %reduce_max3A_122 : vector<16xi32>
        %reduce_max3A_124 = tpu.scan <max>, %reduce_max3A_123 masked %reduce_max3A_120 : vector<16xi32>, vector<16xi1> -> vector<16xi32>
        %reduce_max3A_125 = arith.xori %reduce_max3A_124, %reduce_max3A_122 : vector<16xi32>
        %reduce_max3A_126 = vector.extract %reduce_max3A_125[15] : i32 from vector<16xi32>
        %ge3A_127 = arith.constant 100 : i32
        %ge3A_128 = arith.cmpi sge, %reduce_max3A_126, %ge3A_127 : i32
        %and3A = arith.andi %lt3A_119, %ge3A_128 : i1
        scf.condition(%and3A) %while3A_117, %while3A_118 : i32, vector<16xi32>
      } do {
      ^bb0(%while3A_117: i32, %while3A_118: vector<16xi32>):
        %mul3A_119 = arith.constant 4 : i32
        %mul3A_120 = arith.muli %while3A_117, %mul3A_119 : i32
        %add3A_121 = arith.constant 0 : i32
        %add3A_122 = arith.addi %mul3A_120, %add3A_121 : i32
        %broadcast_in_dim3A_123 = vector.broadcast %add3A_122 : i32 to vector<16xi32>
        %gather3A_124 = tpu.vector_load_idx %arg7[%add3A_104, %broadcast_in_dim3A_123] : memref<80x100xf32, #tpu.memory_space<vmem>>[vector<16xi32>, vector<16xi32>], vector<16xf32>,
        %gather3A_125 = tpu.vector_load_idx %arg8[%add3A_104, %broadcast_in_dim3A_123] : memref<80x100xf32, #tpu.memory_space<vmem>>[vector<16xi32>, vector<16xi32>], vector<16xf32>,
        %mul3A_126 = arith.mulf %gather3A_124, %get3A_105 : vector<16xf32>
        %div3A = arith.divf %mul3A_126, %gather3A_125 : vector<16xf32>
        %lt3A = arith.constant 1.000000e+00 : f32
        %lt3A_127 = vector.broadcast %lt3A : f32 to vector<16xf32>
        %lt3A_128 = arith.cmpf olt, %div3A, %lt3A_127 : vector<16xf32>
        %broadcast_in_dim3A_129 = arith.constant 100 : i32
        %broadcast_in_dim3A_130 = vector.broadcast %broadcast_in_dim3A_129 : i32 to vector<16xi32>
        %select_n3A_131 = arith.select %lt3A_128, %broadcast_in_dim3A_123, %broadcast_in_dim3A_130 : vector<16xi1>, vector<16xi32>
        %min3A_132 = arith.minsi %while3A_118, %select_n3A_131 : vector<16xi32>
        %add3A_133 = arith.constant 1 : i32
        %add3A_134 = arith.addi %mul3A_120, %add3A_133 : i32
        %broadcast_in_dim3A_135 = vector.broadcast %add3A_134 : i32 to vector<16xi32>
        %gather3A_136 = tpu.vector_load_idx %arg7[%add3A_104, %broadcast_in_dim3A_135] : memref<80x100xf32, #tpu.memory_space<vmem>>[vector<16xi32>, vector<16xi32>], vector<16xf32>,
        %gather3A_137 = tpu.vector_load_idx %arg8[%add3A_104, %broadcast_in_dim3A_135] : memref<80x100xf32, #tpu.memory_space<vmem>>[vector<16xi32>, vector<16xi32>], vector<16xf32>,
        %mul3A_138 = arith.mulf %gather3A_136, %get3A_105 : vector<16xf32>
        %div3A_139 = arith.divf %mul3A_138, %gather3A_137 : vector<16xf32>
        %lt3A_140 = arith.constant 1.000000e+00 : f32
        %lt3A_141 = vector.broadcast %lt3A_140 : f32 to vector<16xf32>
        %lt3A_142 = arith.cmpf olt, %div3A_139, %lt3A_141 : vector<16xf32>
        %broadcast_in_dim3A_143 = arith.constant 100 : i32
        %broadcast_in_dim3A_144 = vector.broadcast %broadcast_in_dim3A_143 : i32 to vector<16xi32>
        %select_n3A_145 = arith.select %lt3A_142, %broadcast_in_dim3A_135, %broadcast_in_dim3A_144 : vector<16xi1>, vector<16xi32>
        %min3A_146 = arith.minsi %min3A_132, %select_n3A_145 : vector<16xi32>
        %add3A_147 = arith.constant 2 : i32
        %add3A_148 = arith.addi %mul3A_120, %add3A_147 : i32
        %broadcast_in_dim3A_149 = vector.broadcast %add3A_148 : i32 to vector<16xi32>
        %gather3A_150 = tpu.vector_load_idx %arg7[%add3A_104, %broadcast_in_dim3A_149] : memref<80x100xf32, #tpu.memory_space<vmem>>[vector<16xi32>, vector<16xi32>], vector<16xf32>,
        %gather3A_151 = tpu.vector_load_idx %arg8[%add3A_104, %broadcast_in_dim3A_149] : memref<80x100xf32, #tpu.memory_space<vmem>>[vector<16xi32>, vector<16xi32>], vector<16xf32>,
        %mul3A_152 = arith.mulf %gather3A_150, %get3A_105 : vector<16xf32>
        %div3A_153 = arith.divf %mul3A_152, %gather3A_151 : vector<16xf32>
        %lt3A_154 = arith.constant 1.000000e+00 : f32
        %lt3A_155 = vector.broadcast %lt3A_154 : f32 to vector<16xf32>
        %lt3A_156 = arith.cmpf olt, %div3A_153, %lt3A_155 : vector<16xf32>
        %broadcast_in_dim3A_157 = arith.constant 100 : i32
        %broadcast_in_dim3A_158 = vector.broadcast %broadcast_in_dim3A_157 : i32 to vector<16xi32>
        %select_n3A_159 = arith.select %lt3A_156, %broadcast_in_dim3A_149, %broadcast_in_dim3A_158 : vector<16xi1>, vector<16xi32>
        %min3A_160 = arith.minsi %min3A_146, %select_n3A_159 : vector<16xi32>
        %add3A_161 = arith.constant 3 : i32
        %add3A_162 = arith.addi %mul3A_120, %add3A_161 : i32
        %broadcast_in_dim3A_163 = vector.broadcast %add3A_162 : i32 to vector<16xi32>
        %gather3A_164 = tpu.vector_load_idx %arg7[%add3A_104, %broadcast_in_dim3A_163] : memref<80x100xf32, #tpu.memory_space<vmem>>[vector<16xi32>, vector<16xi32>], vector<16xf32>,
        %gather3A_165 = tpu.vector_load_idx %arg8[%add3A_104, %broadcast_in_dim3A_163] : memref<80x100xf32, #tpu.memory_space<vmem>>[vector<16xi32>, vector<16xi32>], vector<16xf32>,
        %mul3A_166 = arith.mulf %gather3A_164, %get3A_105 : vector<16xf32>
        %div3A_167 = arith.divf %mul3A_166, %gather3A_165 : vector<16xf32>
        %lt3A_168 = arith.constant 1.000000e+00 : f32
        %lt3A_169 = vector.broadcast %lt3A_168 : f32 to vector<16xf32>
        %lt3A_170 = arith.cmpf olt, %div3A_167, %lt3A_169 : vector<16xf32>
        %broadcast_in_dim3A_171 = arith.constant 100 : i32
        %broadcast_in_dim3A_172 = vector.broadcast %broadcast_in_dim3A_171 : i32 to vector<16xi32>
        %select_n3A_173 = arith.select %lt3A_170, %broadcast_in_dim3A_163, %broadcast_in_dim3A_172 : vector<16xi1>, vector<16xi32>
        %min3A_174 = arith.minsi %min3A_160, %select_n3A_173 : vector<16xi32>
        %add3A_175 = arith.constant 1 : i32
        %add3A_176 = arith.addi %while3A_117, %add3A_175 : i32
        scf.yield %add3A_176, %min3A_174 : i32, vector<16xi32>
      }
      %broadcast_in_dim3A_108 = arith.constant 99 : i32
      %broadcast_in_dim3A_109 = vector.broadcast %broadcast_in_dim3A_108 : i32 to vector<16xi32>
      %min3A = arith.minsi %while3A_107#1, %broadcast_in_dim3A_109 : vector<16xi32>
      %gather3A = tpu.vector_load_idx %arg9[%add3A_104, %min3A] : memref<80x100xf32, #tpu.memory_space<vmem>>[vector<16xi32>, vector<16xi32>], vector<16xf32>,
      %ge3A = arith.constant 100 : i32
      %ge3A_110 = vector.broadcast %ge3A : i32 to vector<16xi32>
      %ge3A_111 = arith.cmpi sge, %while3A_107#1, %ge3A_110 : vector<16xi32>
      %broadcast_in_dim3A_112 = arith.constant 1.000000e+01 : f32
      %broadcast_in_dim3A_113 = vector.broadcast %broadcast_in_dim3A_112 : f32 to vector<16xf32>
      %select_n3A = arith.select %ge3A_111, %broadcast_in_dim3A_113, %gather3A : vector<16xi1>, vector<16xf32>
      %add3A_114 = arith.constant 0 : i32
      %add3A_115 = arith.addi %add3A_114, %mul3A_102 : i32
      %swap3A = arith.index_cast %add3A_115 : i32 to index
      %swap3A_116 = tpu.vector_load %arg23[%swap3A] {strides = array<i32>} : memref<320xf32, #tpu.memory_space<vmem>>, vector<16xf32>,
      tpu.vector_store %arg23[%swap3A], %select_n3A {strides = array<i32>} : memref<320xf32, #tpu.memory_space<vmem>>, vector<16xf32>,
    }
    %scan3A_97 = arith.constant 5 : i32
    %add3A_98 = arith.constant 9920 : i32
    %add3A_99 = arith.addi %mul3A_2, %add3A_98 : i32
    "tpu.region"() ({
      %run_scoped3A = tpu.sem_alloc : memref<!tpu.dma_semaphore, #tpu.memory_space<semaphore_mem>>
      %dma_start3A_100 = arith.constant 0 : i32
      %dma_start3A_101 = tpu.memref_slice %arg23[%dma_start3A_100] : memref<320xf32, #tpu.memory_space<vmem>> -> memref<80xf32, #tpu.memory_space<vmem>>
      %dma_start3A_102 = tpu.memref_slice %arg6[%add3A_99] : memref<320000xf32, #tpu.memory_space<hbm>> -> memref<80xf32, #tpu.memory_space<hbm>>
      %dma_start3A_103 = tpu.memref_slice %arg6[%add3A_99] : memref<320000xf32, #tpu.memory_space<hbm>> -> memref<80xf32, #tpu.memory_space<hbm>>
      %dma_start3A_104 = arith.constant 0 : i32
      %dma_start3A_105 = tpu.memref_slice %arg23[%dma_start3A_104] : memref<320xf32, #tpu.memory_space<vmem>> -> memref<80xf32, #tpu.memory_space<vmem>>
      tpu.enqueue_dma source(%dma_start3A_105 : memref<80xf32, #tpu.memory_space<vmem>>) target(%dma_start3A_103 : memref<80xf32, #tpu.memory_space<hbm>>) target_semaphore(%run_scoped3A : memref<!tpu.dma_semaphore, #tpu.memory_space<semaphore_mem>>)
      %dma_wait3A_106 = arith.constant 0 : i32
      %dma_wait3A_107 = tpu.memref_slice %arg23[%dma_wait3A_106] : memref<320xf32, #tpu.memory_space<vmem>> -> memref<80xf32, #tpu.memory_space<vmem>>
      %dma_wait3A_108 = tpu.memref_slice %arg6[%add3A_99] : memref<320000xf32, #tpu.memory_space<hbm>> -> memref<80xf32, #tpu.memory_space<hbm>>
      %dma_wait3A_109 = tpu.memref_slice %arg6[%add3A_99] : memref<320000xf32, #tpu.memory_space<hbm>> -> memref<80xf32, #tpu.memory_space<hbm>>
      %dma_wait3A_110 = arith.constant 0 : i32
      %dma_wait3A_111 = tpu.memref_slice %arg23[%dma_wait3A_110] : memref<320xf32, #tpu.memory_space<vmem>> -> memref<80xf32, #tpu.memory_space<vmem>>
      tpu.wait_dma2 semaphore(%run_scoped3A : memref<!tpu.dma_semaphore, #tpu.memory_space<semaphore_mem>>) src(%dma_wait3A_111 : memref<80xf32, #tpu.memory_space<vmem>>) dst(%dma_wait3A_109 : memref<80xf32, #tpu.memory_space<hbm>>)
      tpu.yield
    }) : () -> ()
    return
  }
}

</mosaic_0001>

<sc_bundles>
// kernel: kernel.3.cloned.1.call-start
scs
__scs_entry_jumppad:
0x0: {  	(pc) =	sbr.rel $0x88, $3  }
0x1: {  	(tag) =	ssettag $0x0;
	lr =	simm.s32 $0x1  }
0x2: {  	[smem:$0x3F9D] =	sst lr;
	_ =	strace $0xD0000000  }
0x3: {  	_ = 	snop  }
0x4: {  	_ = 	snop  }
0x5: {  	_ = 	snop  }
0x6: {  	_ = 	snop  }
0x7: {  	_ = 	snop  }
__scs_overlays_trampoline_lowered:
0x8: {  	[smem:$0x3FAC] =	sst s0  }
0x9: {  	[smem:$0x3FAD] =	sst s1  }
0xa: {  	[smem:$0x3FAE] =	sst s2  }
0xb: {  	[smem:$0x3FAF] =	sst s3  }
0xc: {  	[smem:$0x3FB0] =	sst s4  }
0xd: {  	[smem:$0x3FB1] =	sst s5  }
0xe: {  	[smem:$0x3FB2] =	sst s6  }
0xf: {  	[smem:$0x3FB3] =	sst s7  }
0x10: {  	[smem:$0x3FB4] =	sst s8  }
0x11: {  	[smem:$0x3FB5] =	sst s9;
	s0 =	simm.s32 @!p0 $0x0  }
0x12: {  	s1 =	sld [smem:$0x3F9B];
	s0 =	simm.s32 @p0 $0x1  }
0x13: {  	[smem:$0x3FB6] =	sst s0;
	s0 =	simm.s32 @!p1 $0x0  }
0x14: {  	s2 =	sld [smem:$0x3F9A];
	s0 =	simm.s32 @p1 $0x1  }
0x15: {  	[smem:$0x3FB7] =	sst s0;
	s0 =	simm.s32 @!p2 $0x0  }
0x16: {  	s3 =	sld [smem:$0x3FDB];
	s0 =	simm.s32 @p2 $0x1  }
0x17: {  	s4 =	simm.s32 $0x1BF5;
	[smem:$0x3FB9] =	sst s0  }
0x18: {  	s0 =	sld [smem:$0x3F9C];
	_ =	swait.ge [sflag:s4], $0x0  }
0x19: {  	s7 =	sld [smem:$0x3F9D]  }
0x1a: {  	s8 =	sadd.s32 $0xFFFFE003, lr  }
0x1b: {  	s9 =	sadd.s32 $0xFFFFFEF7, lr;
	s5 =	simm.s32 $0xFFFFFFFF;
	p2 =	slt.u32 s8, $0xFFFFF086  }
0x1c: {  	p1 =	slt.u32 s9, $0xF7A;
	s5 =	simm.s32 @!p2 $0x0  }
0x1d: {  	s5 =	simm.s32 @p1 $0x1;
	p0 =	seq.s32 s7, s2  }
0x1e: {  	s7 =	smul.u32 @!p0 $0xF7A, s2;
	p2 =	seq.s32 @!p0 s5, $0x0  }
0x1f: {  	s9 =	smul.u32 $0xF7A, s1;
	s8 =	simm.s32 @!p0 $0x1BF5;
	p2 =	por !p2, p0  }
0x20: {  	[sflag:s8] =	ssyncset.s32 @!p0 $0xFFFFF086;
	s6 =	sadd.s32 @!p0 s3, s7;
	s7 =	simm.s32 @!p0 $0x108  }
0x21: {  	s3 =	sadd.s32 s3, s9;
	s6 =	sadd.s32 @!p0 $0x88, s6;
	s7 =	simm.s32 @p2 $0x1082  }
0x22: {  	[simem:s7], [sflag:s8] =	dma.local @!p0 [hbm:s6], $0xF7A  }
0x23: {  	s9 =	sor.u32 $0xD0000000, s2;
	s6 =	simm.s32 $0x108;
	_ =	swait.ge @!p0 [sflag:s8], $0x0  }
0x24: {  	s3 =	sadd.s32 $0x88, s3;
	s6 =	simm.s32 @!p1 $0x1082;
	[sflag:s4] =	ssyncset.s32 $0xFFFFF086  }
0x25: {  	[simem:s6], [sflag:s4] =	dma.local [hbm:s3], $0xF7A  }
0x26: {  	[smem:$0x3F9D] =	sst s1;
	(tag) =	ssettag s2;
	_ =	strace s9  }
0x27: {  	s1 =	sld [smem:$0x3FAD]  }
0x28: {  	s2 =	sld [smem:$0x3FAE]  }
0x29: {  	s4 =	sld [smem:$0x3FB0]  }
0x2a: {  	p0 =	seq.s32 s5, $0x0;
	s5 =	sld [smem:$0x3FB1]  }
0x2b: {  	s6 =	sld [smem:$0x3FB2]  }
0x2c: {  	s7 =	sld [smem:$0x3FB3]  }
0x2d: {  	s3 =	simm.s32 $0x108;
	s8 =	sld [smem:$0x3FB4]  }
0x2e: {  	s3 =	simm.s32 @!p0 $0x1082;
	s9 =	sld [smem:$0x3FB5]  }
0x2f: {  	lr =	sadd.s32 s0, s3;
	s0 =	sld [smem:$0x3FAC]  }
0x30: {  	s3 =	sld [smem:$0x3FAF]  }
0x31: {  	[smem:$0x3FB8] =	sst s10  }
0x32: {  	s10 =	sld [smem:$0x3FB6];
	_ =	sdelay $0x3  }
0x33: {  	p0 =	seq.s32 s10, $0x1;
	s10 =	sld [smem:$0x3FB8];
	_ =	sdelay $0x3  }
0x34: {  	[smem:$0x3FB8] =	sst s10  }
0x35: {  	s10 =	sld [smem:$0x3FB7];
	_ =	sdelay $0x3  }
0x36: {  	p1 =	seq.s32 s10, $0x1;
	s10 =	sld [smem:$0x3FB8];
	_ =	sdelay $0x3  }
0x37: {  	[smem:$0x3FB8] =	sst s10  }
0x38: {  	s10 =	sld [smem:$0x3FB9]  }
0x39: {  	_ = 	snop;
	(pc) =	sbr.ind lr, $3  }
0x3a: {  	_ = 	snop  }
0x3b: {  	_ = 	snop  }
0x3c: {  	p2 =	seq.s32 s10, $0x1;
	s10 =	sld [smem:$0x3FB8]  }
0x3d: {  	_ =	shalt  }
0x3e: {  	_ =	shalt  }
0x3f: {  	_ =	shalt  }
0x40: {  	_ =	shalt  }
0x41: {  	_ =	shalt  }
0x42: {  	_ =	shalt  }
0x43: {  	_ =	shalt  }
0x44: {  	_ =	shalt  }
0x45: {  	_ =	shalt  }
0x46: {  	_ =	shalt  }
0x47: {  	_ =	shalt  }
0x48: {  	_ =	shalt  }
0x49: {  	_ =	shalt  }
0x4a: {  	_ =	shalt  }
0x4b: {  	_ =	shalt  }
0x4c: {  	_ =	shalt  }
0x4d: {  	_ =	shalt  }
0x4e: {  	_ =	shalt  }
0x4f: {  	_ =	shalt  }
0x50: {  	_ =	shalt  }
0x51: {  	_ =	shalt  }
0x52: {  	_ =	shalt  }
0x53: {  	_ =	shalt  }
0x54: {  	_ =	shalt  }
0x55: {  	_ =	shalt  }
0x56: {  	_ =	shalt  }
0x57: {  	_ =	shalt  }
0x58: {  	_ =	shalt  }
0x59: {  	_ =	shalt  }
0x5a: {  	_ =	shalt  }
0x5b: {  	_ =	shalt  }
0x5c: {  	_ =	shalt  }
0x5d: {  	_ =	shalt  }
0x5e: {  	_ =	shalt  }
0x5f: {  	_ =	shalt  }
0x60: {  	_ =	shalt  }
0x61: {  	_ =	shalt  }
0x62: {  	_ =	shalt  }
0x63: {  	_ =	shalt  }
0x64: {  	_ =	shalt  }
0x65: {  	_ =	shalt  }
0x66: {  	_ =	shalt  }
0x67: {  	_ =	shalt  }
0x68: {  	_ =	shalt  }
0x69: {  	_ =	shalt  }
0x6a: {  	_ =	shalt  }
0x6b: {  	_ =	shalt  }
0x6c: {  	_ =	shalt  }
0x6d: {  	_ =	shalt  }
0x6e: {  	_ =	shalt  }
0x6f: {  	_ =	shalt  }
0x70: {  	_ =	shalt  }
0x71: {  	_ =	shalt  }
0x72: {  	_ =	shalt  }
0x73: {  	_ =	shalt  }
0x74: {  	_ =	shalt  }
0x75: {  	_ =	shalt  }
0x76: {  	_ =	shalt  }
0x77: {  	_ =	shalt  }
0x78: {  	_ =	shalt  }
0x79: {  	_ =	shalt  }
0x7a: {  	_ =	shalt  }
0x7b: {  	_ =	shalt  }
0x7c: {  	_ =	shalt  }
0x7d: {  	_ =	shalt  }
0x7e: {  	_ =	shalt  }
0x7f: {  	_ =	shalt  }
0x80: {  	_ =	shalt  }
0x81: {  	_ =	shalt  }
0x82: {  	_ =	shalt  }
0x83: {  	_ =	shalt  }
0x84: {  	_ =	shalt  }
0x85: {  	_ =	shalt  }
0x86: {  	_ =	shalt  }
0x87: {  	_ =	shalt  }
.Lfunc_end0:
.L_simem_size_0:
called_computation_lowered:
.L_overlay_start_0:
0x88: {  	s2 =	sld [smem:$0x3FD9]  }
0x89: {  	s3 =	sld [smem:$0x3FFE];
	_ =	sdelay $0x1  }
0x8a: {  	s1 =	srdreg.scid  }
0x8b: {  	s0 =	sand.u32 $0x1, s1  }
0x8c: {  	s17 =	sshll.u32 s0, $0xA;
	s2 =	sadd.s32 s3, s2  }
0x8d: {  	s2 =	sadd.s32 s2, s17  }
0x8e: {  	[smem:$0x3FC4] =	sst s2  }
0x8f: {  	_ = 	snop  }
0x90: {  	s2 =	sld [smem:$0x3FC9]  }
0x91: {  	s18 =	sld [smem:$0x3FC7]  }
0x92: {  	s4 =	sld [smem:$0x3FC6]  }
0x93: {  	s5 =	sld [smem:$0x3FD0];
	(tm) =	ssettm $0x1  }
0x94: {  	s6 =	sld [smem:$0x3FFB];
	_ =	sdelay $0x3  }
0x95: {  	_ =	strace s6  }
0x96: {  	s6 =	sld [smem:$0x3FFC];
	_ =	sdelay $0x3  }
0x97: {  	_ =	strace s6  }
0x98: {  	s6 =	sld [smem:$0x3FFD];
	_ =	sdelay $0x3  }
0x99: {  	_ =	strace s6  }
0x9a: {  	_ =	strace $0x8FFFFFFF  }
0x9b: {  	s19 =	sld [smem:$0x3FDB];
	_ =	sdelay $0x1  }
0x9c: {  	s7 =	simm.s32 $_scs_section_size  }
0x9d: {  	s8 =	simm.s32 $_size__tile_overlayer_lowered;
	s9 =	simm.s32 $_tile_overlayer_lowered  }
0x9e: {  	s22 =	simm.s32 $0x1BFF;
	s21 =	sshll.u32 s9, $0x1;
	s6 =	sadd.s32 s7, s19  }
0x9f: {  	s10 =	simm.s32 $0x0;
	s20 =	sshll.u32 s8, $0x1;
	s8 =	sadd.s32 s21, s6  }
0xa0: {  	[timem:s10], [sflag:s22] =	dma.local [hbm:s8], s20  }
0xa1: {  	_ =	swait.ge [sflag:s22], s20  }
0xa2: {  	s7 =	ssub.s32 $0x0, s20;
	[sflag:s22] =	ssyncset.done $0x0  }
0xa3: {  	[sflag:s22] =	ssyncadd.s32 s7;
	_ =	sdelay $0x1  }
0xa4: {  	s23 =	simm.s32 $0x1B8B  }
0xa5: {  	_ =	swait.ge [sflag:s23], $0x1  }
0xa6: {  	[sflag:s23] =	ssyncset.done $0x0  }
0xa7: {  	s25 =	simm.s32 $0x1B8E;
	s24 =	sld [smem:$0x3FFE];
	[sflag:s23] =	ssyncadd.s32 $0xFFFFFFFF  }
0xa8: {  	s26 =	simm.s32 $execute0_lowered;
	[smem:$0x3FD2] =	sst s25  }
0xa9: {  	s8 =	sshll.u32 s26, $0x1;
	_ =	strace $0x80000046;
	[dreg:$0x1] =	wrdreg $0xFFFFFFFF  }
0xaa: {  	s28 =	simm.s32 $_size_execute0_lowered;
	s6 =	sadd.s32 s6, s8;
	[dreg:$0x0] =	wrdreg $0x0  }
0xab: {  	s8 =	sshll.u32 s28, $0x1;
	[dreg:$0x2] =	wrdreg s6  }
0xac: {  	[dreg:$0x3] =	wrdreg s8  }
0xad: {  	[dreg:$0x4] =	wrdreg $0xC0  }
0xae: {  	_ =	task [dreg:s10], $0x5FFFF  }
0xaf: {  	[dreg:$0x1] =	wrdreg $0xFFFFFFFF  }
0xb0: {  	[dreg:$0x0] =	wrdreg $0x60  }
0xb1: {  	[dreg:$0x2] =	wrdreg s2  }
0xb2: {  	[dreg:$0x3] =	wrdreg s18  }
0xb3: {  	[dreg:$0x4] =	wrdreg s4  }
0xb4: {  	[dreg:$0x5] =	wrdreg s5  }
0xb5: {  	[dreg:$0x6] =	wrdreg s24  }
0xb6: {  	[dreg:$0x7] =	wrdreg $0x9  }
0xb7: {  	_ =	task.clear_ibuf [dreg:s10], $0x8FFFF;
	_ =	strace $0x90000046  }
0xb8: {  	s29 =	simm.s32 $0x9;
	_ =	strace $0x80000048  }
0xb9: {  	_ =	swait.ge [sflag:s29], $0x1  }
0xba: {  	[sflag:s29] =	ssyncadd.s32 $0xFFFFFFFF  }
0xbb: {  	_ =	strace $0x90000048  }
0xbc: {  	_ =	sfence  }
0xbd: {  	s30 =	sld [smem:$0x0];
	_ =	sdelay $0x2  }
0xbe: {  	s31 =	sshll.u32 s1, $0xD;
	s1 =	sshrl.u32 s1, $0x2  }
0xbf: {  	s3 =	sand.u32 $0x4000, s31;
	s1 =	sadd.s32 s1, s30  }
0xc0: {  	s0 =	sor.u32 s3, s0;
	s1 =	sshll.u32 s1, $0x11  }
0xc1: {  	s0 =	sor.u32 s1, s0  }
0xc2: {  	s0 =	sadd.s32 $0x8F2B, s0  }
0xc3: {  	[sflag:s0] =	ssyncadd.remote.s32 $0x1  }
0xc4: {  	_ =	sfence.sel $0xFFFF  }
0xc5: {  	[dreg:$0x0] =	wrdreg $0xFFFFFFFF;
	(pc) =	sbr.abs _section_cstart, $3  }
0xc6: {  	[dreg:$0x1] =	wrdreg $0xFFFFFFFF  }
0xc7: {  	_ =	task.clear_ibuf [dreg:s10], $0x2FFFF;
	_ =	strace $0x9FFFFFFF  }
0xc8: {  	(tm) =	ssettm $0x7FFFFFFF  }
0xc9: {  	_ =	shalt  }
tec
execute0_lowered:
.L_overlay_start_1:
0x0: {  	(tag) =	ssettag $0x1  }
0x1: {  	s1 =	rddreg [dreg:$0x0]  }
0x2: {  	s2 =	rddreg [dreg:$0x1]  }
0x3: {  	s3 =	rddreg [dreg:$0x2]  }
0x4: {  	s6 =	srdreg.scid;
	s7 =	stileid.u32  }
0x5: {  	s4 =	rddreg [dreg:$0x3];
	s6 =	sand.u32 $0x1, s6;
	s7 =	sshll.u32 s7, $0x1  }
0x6: {  	s0 =	rddreg [dreg:$0x4];
	s5 =	simm.s32 $0x0;
	s8 =	sor.u32 s6, s7  }
0x7: {  	[smem:$0x7FF] =	sst s5;
	s7 =	smul.u32 $0x2710, s8  }
0x8: {  	s11 =	sadd.s32 $0x400, s0;
	s6 =	ssub.s32 $0x2, s6;
	s8 =	smul.u32 $0x27100, s8  }
0x9: {  	_ =	strace $0x80000047;
	[dreg:$0x6] =	wrdreg s11;
	s9 =	sshrl.u32 s6, $0x1  }
0xa: {  	v0 =	vimm.s32 $0x80000064;
	s0 =	ssub.s32 s6, s9;
	s23 =	sadd.s32 $0x50, s7;
	s24 =	sadd.s32 s1, s8  }
0xb: {  	(xrf0) =	vmax.scan.msk.u32 $0xffff, v0;
	s25 =	sadd.s32 s2, s8;
	s8 =	sadd.s32 s3, s8;
	[dreg:$0x7] =	wrdreg s24  }
0xc: {  	s28 =	sshrl.u32 s7, $0x3;
	s12 =	sadd.s32 $0xA0, s7;
	[dreg:$0x8] =	wrdreg s25  }
0xd: {  	s16 =	sadd.s32 $0xF0, s7;
	s0 =	smax.u32 s0, $0x1;
	[dreg:$0x9] =	wrdreg s8  }
0xe: {  	s26 =	sshll.u32 s23, $0x4;
	s24 =	sadd.s32 s4, s28;
	[dreg:$0x18] =	wrdreg s0  }
0xf: {  	s8 =	sadd.s32 s11, s28;
	s28 =	sadd.s32 $0x190, s7;
	[dreg:$0x15] =	wrdreg s24  }
0x10: {  	s30 =	smov.u32 s7;
	s10 =	sadd.s32 s1, s26;
	[dreg:$0x1a] =	wrdreg s28  }
0x11: {  	s31 =	sadd.s32 $0x230, s7;
	s29 =	sadd.s32 s2, s26;
	[dreg:$0xa] =	wrdreg s10;
	v0, _, _ =	vpop (xrf0)  }
0x12: {  	s6 =	sshrl.u32 s23, $0x3;
	s9 =	sadd.s32 s3, s26;
	[dreg:$0xb] =	wrdreg s29;
	(v2sf) =	vpush v0, $0xF  }
0x13: {  	s13 =	sshll.u32 s12, $0x4;
	s6 =	sadd.s32 s4, s6;
	[dreg:$0xc] =	wrdreg s9  }
0x14: {  	s17 =	sshrl.u32 s12, $0x3;
	s14 =	sadd.s32 s1, s13;
	[dreg:$0xd] =	wrdreg s6  }
0x15: {  	s18 =	sshll.u32 s16, $0x4;
	s15 =	sadd.s32 s2, s13;
	[dreg:$0xe] =	wrdreg s14  }
0x16: {  	s23 =	sshrl.u32 s16, $0x3;
	s19 =	sadd.s32 s1, s18;
	[dreg:$0xf] =	wrdreg s15  }
0x17: {  	s0 =	simm.s32 $0x2800;
	s21 =	sadd.s32 s2, s18;
	[dreg:$0x12] =	wrdreg s19  }
0x18: {  	s11 =	simm.s32 $0xA080;
	s22 =	sadd.s32 s3, s18;
	[dreg:$0x13] =	wrdreg s21  }
0x19: {  	s12 =	simm.s32 $0xC880;
	s25 =	sadd.s32 $0x4D8, s8;
	[dreg:$0x14] =	wrdreg s22  }
0x1a: {  	s16 =	simm.s32 $0x16980;
	s26 =	sadd.s32 $0x140, s7;
	[dreg:$0x17] =	wrdreg s25  }
0x1b: {  	s18 =	simm.s32 $0x1B980;
	s6 =	sadd.s32 s3, s13;
	[dreg:$0x19] =	wrdreg s26  }
0x1c: {  	s29 =	sadd.s32 $0x1E0, s7;
	s10 =	simm.s32 $0x7880;
	s13 =	simm.s32 $0xF100  }
0x1d: {  	s14 =	simm.s32 $0x11900;
	s15 =	simm.s32 $0x14100;
	s19 =	simm.s32 $0x1  }
.Ltmp0:
0x1e: {  	s21 =	simm.s32 $0x3;
	[dreg:$0x10] =	wrdreg s6;
	(pc) =	sbr.rel .LBB2_1-.Ltmp0, $4  }
0x1f: {  	s22 =	simm.s32 $0x4;
	s6 =	sadd.s32 s4, s17;
	[dreg:$0x1b] =	wrdreg s29  }
0x20: {  	s9 =	simm.s32 $0x0;
	[dreg:$0x11] =	wrdreg s6;
	s6 =	sadd.s32 s4, s23  }
0x21: {  	s17 =	simm.s32 $0x19180;
	v0 =	vlaneseq.u32;
	[dreg:$0x16] =	wrdreg s6;
	s20 =	spop (v2sf)  }
0x22: {  	s6 =	simm.s32 $0x5000;
	v0 =	vmul.u32 $0x80, v0;
	p0 =	slt.u32 s20, $0x80000064;
	s20 =	simm.s32 $0x2  }
.LBB2_33:
0x23: {  	s7 =	rddreg [dreg:$0x17];
	s8 =	simm.s32 $0x1E200;
	s28 =	simm.s32 $0x6  }
0x24: {  	[hbm4b:s7+s5] =	stream.linear.scatter [tilespmem:s8], [sflag:$0x6], $0x50, $0x38;
	[tilespmem:$0x1E380] =	vst v63  }
0x25: {  	_ =	swait.ge [sflag:s28], $0x50  }
0x26: {  	s9 =	rddreg [dreg:$0x1c]  }
0x27: {  	s29 =	rddreg [dreg:$0x18];
	s9 =	sadd.s32 $0x1, s9  }
0x28: {  	p1 =	sne.s32 s9, s29  }
.Ltmp1:
0x29: {  	_ = 	snop;
	(pc) =	sbr.rel @!p1 .LBB2_34-.Ltmp1, $3  }
0x2a: {  	_ =	sdelay $0x1  }
0x2b: {  	[sflag:s28] =	ssyncset.done $0x0  }
0x2c: {  	[sflag:s28] =	ssyncadd.s32 $0xFFFFFFB0  }
.LBB2_1:
0x2d: {  	[dreg:$0x1c] =	wrdreg s9  }
0x2e: {  	s7 =	rddreg [dreg:$0x7]  }
0x2f: {  	[tilespmem:s5], [sflag:$0x1] =	stream.linear.gather [hbm4b:s7+s5], $0x2800, $0x38;
	[tilespmem:$0x1E380] =	vst v63  }
0x30: {  	s26 =	rddreg [dreg:$0x8]  }
0x31: {  	[tilespmem:s0], [sflag:$0x1] =	stream.linear.gather [hbm4b:s26+s5], $0x2800, $0x38;
	[tilespmem:$0x1E380] =	vst v63  }
0x32: {  	s28 =	rddreg [dreg:$0x9]  }
0x33: {  	[tilespmem:s6], [sflag:$0x1] =	stream.linear.gather [hbm4b:s28+s5], $0x2800, $0x38;
	[tilespmem:$0x1E380] =	vst v63  }
0x34: {  	s29 =	rddreg [dreg:$0x15];
	s8 =	simm.s32 $0x7800  }
0x35: {  	[tilespmem:s8], [sflag:$0x1] =	stream.linear.gather [hbm4b:s29+s5], $0x50, $0x38;
	[tilespmem:$0x1E380] =	vst v63  }
0x36: {  	s9 =	rddreg [dreg:$0xa]  }
0x37: {  	[tilespmem:s10], [sflag:$0x2] =	stream.linear.gather [hbm4b:s9+s5], $0x2800, $0x38;
	[tilespmem:$0x1E380] =	vst v63  }
0x38: {  	s23 =	rddreg [dreg:$0xb]  }
0x39: {  	[tilespmem:s11], [sflag:$0x2] =	stream.linear.gather [hbm4b:s23+s5], $0x2800, $0x38;
	[tilespmem:$0x1E380] =	vst v63  }
0x3a: {  	s24 =	rddreg [dreg:$0xc]  }
0x3b: {  	[tilespmem:s12], [sflag:$0x2] =	stream.linear.gather [hbm4b:s24+s5], $0x2800, $0x38;
	[tilespmem:$0x1E380] =	vst v63  }
0x3c: {  	s25 =	rddreg [dreg:$0xd];
	s26 =	simm.s32 $0xF080  }
0x3d: {  	[tilespmem:s26], [sflag:$0x2] =	stream.linear.gather [hbm4b:s25+s5], $0x50, $0x38;
	[tilespmem:$0x1E380] =	vst v63  }
0x3e: {  	s28 =	rddreg [dreg:$0xe]  }
0x3f: {  	[tilespmem:s13], [sflag:$0x3] =	stream.linear.gather [hbm4b:s28+s5], $0x2800, $0x38;
	[tilespmem:$0x1E380] =	vst v63  }
0x40: {  	s29 =	rddreg [dreg:$0xf]  }
0x41: {  	[tilespmem:s14], [sflag:$0x3] =	stream.linear.gather [hbm4b:s29+s5], $0x2800, $0x38;
	[tilespmem:$0x1E380] =	vst v63  }
0x42: {  	s8 =	rddreg [dreg:$0x10]  }
0x43: {  	[tilespmem:s15], [sflag:$0x3] =	stream.linear.gather [hbm4b:s8+s5], $0x2800, $0x38;
	[tilespmem:$0x1E380] =	vst v63  }
0x44: {  	s9 =	rddreg [dreg:$0x11];
	s23 =	simm.s32 $0x16900  }
0x45: {  	[tilespmem:s23], [sflag:$0x3] =	stream.linear.gather [hbm4b:s9+s5], $0x50, $0x38;
	[tilespmem:$0x1E380] =	vst v63  }
0x46: {  	s24 =	rddreg [dreg:$0x12]  }
0x47: {  	[tilespmem:s16], [sflag:$0x4] =	stream.linear.gather [hbm4b:s24+s5], $0x2800, $0x38;
	[tilespmem:$0x1E380] =	vst v63  }
0x48: {  	s25 =	rddreg [dreg:$0x13]  }
0x49: {  	[tilespmem:s17], [sflag:$0x4] =	stream.linear.gather [hbm4b:s25+s5], $0x2800, $0x38;
	[tilespmem:$0x1E380] =	vst v63  }
.Ltmp2:
0x4a: {  	_ = 	snop;
	(pc) =	sbr.rel .LBB2_2-.Ltmp2, $4  }
0x4b: {  	s26 =	rddreg [dreg:$0x14]  }
0x4c: {  	[tilespmem:s18], [sflag:$0x4] =	stream.linear.gather [hbm4b:s26+s5], $0x2800, $0x38;
	[tilespmem:$0x1E380] =	vst v63  }
0x4d: {  	s28 =	rddreg [dreg:$0x16];
	s29 =	simm.s32 $0x1E180;
	s24 =	simm.s32 $0x0  }
0x4e: {  	[tilespmem:s29], [sflag:$0x4] =	stream.linear.gather [hbm4b:s28+s5], $0x50, $0x38;
	[tilespmem:$0x1E380] =	vst v63  }
.LBB2_26:
0x4f: {  	s7 =	sadd.s32 @!p1 s25, s31  }
0x50: {  	s8 =	sshll.u32 @!p1 s7, $0x4  }
0x51: {  	s23 =	simm.s32 @!p1 $0x0;
	s26 =	simm.s32 @!p1 $0x16980;
	s9 =	sadd.s32 @!p1 s1, s8  }
0x52: {  	[tilespmem:s26], [sflag:$0x4] =	stream.linear.gather @!p1 [hbm4b:s9+s23], $0x2800, $0x38;
	[tilespmem:$0x1E380] =	vst v63  }
0x53: {  	s9 =	sadd.s32 @!p1 s2, s8;
	s26 =	simm.s32 @!p1 $0x19180  }
0x54: {  	[tilespmem:s26], [sflag:$0x4] =	stream.linear.gather @!p1 [hbm4b:s9+s23], $0x2800, $0x38;
	[tilespmem:$0x1E380] =	vst v63  }
0x55: {  	s7 =	sshrl.u32 @!p1 s7, $0x3;
	s8 =	sadd.s32 @!p1 s3, s8;
	s9 =	simm.s32 @!p1 $0x1B980  }
0x56: {  	[tilespmem:s9], [sflag:$0x4] =	stream.linear.gather @!p1 [hbm4b:s8+s23], $0x2800, $0x38;
	[tilespmem:$0x1E380] =	vst v63  }
0x57: {  	s24 =	sadd.s32 $0x1, s24;
	s7 =	sadd.s32 @!p1 s4, s7;
	s8 =	simm.s32 @!p1 $0x1E180  }
0x58: {  	[tilespmem:s8], [sflag:$0x4] =	stream.linear.gather @!p1 [hbm4b:s7+s23], $0x50, $0x38;
	[tilespmem:$0x1E380] =	vst v63  }
0x59: {  	p1 =	sne.s32 s24, $0x1F  }
.Ltmp3:
0x5a: {  	_ = 	snop;
	(pc) =	sbr.rel @!p1 .LBB2_27-.Ltmp3, $4  }
0x5b: {  	s26 =	sadd.s32 s30, s25  }
0x5c: {  	s28 =	rddreg [dreg:$0x6];
	s7 =	sshrl.u32 s26, $0x3  }
0x5d: {  	s29 =	simm.s32 $0x1E200;
	s7 =	sadd.s32 s28, s7  }
0x5e: {  	[hbm4b:s7+s5] =	stream.linear.scatter [tilespmem:s29], [sflag:$0x5], $0x140, $0x38;
	[tilespmem:$0x1E380] =	vst v63  }
.LBB2_2:
0x5f: {  	p1 =	seq.s32 s24, $0x0  }
0x60: {  	s8 =	simm.s32 @!p1 $0x5  }
0x61: {  	_ =	swait.ge @!p1 [sflag:s8], $0x140  }
0x62: {  	[sflag:s8] =	ssyncset.done @!p1 $0x0  }
0x63: {  	[sflag:s8] =	ssyncadd.s32 @!p1 $0xFFFFFEC0  }
0x64: {  	_ =	swait.ge [sflag:s19], $0x2800  }
0x65: {  	[sflag:s19] =	ssyncset.done $0x0  }
0x66: {  	[sflag:s19] =	ssyncadd.s32 $0xFFFFD800  }
0x67: {  	_ =	swait.ge [sflag:s19], $0x2800  }
0x68: {  	[sflag:s19] =	ssyncset.done $0x0  }
0x69: {  	[sflag:s19] =	ssyncadd.s32 $0xFFFFD800  }
0x6a: {  	_ =	swait.ge [sflag:s19], $0x2800  }
.Ltmp4:
0x6b: {  	[sflag:s19] =	ssyncset.done $0x0;
	(pc) =	sbr.rel .LBB2_3-.Ltmp4, $4  }
0x6c: {  	[sflag:s19] =	ssyncadd.s32 $0xFFFFD800  }
0x6d: {  	_ =	swait.ge [sflag:s19], $0x50  }
0x6e: {  	[sflag:s19] =	ssyncset.done $0x0  }
0x6f: {  	s25 =	simm.s32 $0x0;
	[sflag:s19] =	ssyncadd.s32 $0xFFFFFFB0  }
.LBB2_7:
0x70: {  	vm0 =	vgt.s32 v3, $0x63  }
0x71: {  	v2 =	vsel vm0, $0x63, v3  }
0x72: {  	v3 =	vand.u32 $0xFFFFFF80, v2  }
0x73: {  	v2 =	vand.u32 $0x7F, v2;
	v1 =	vadd.s32 v1, v3  }
0x74: {  	v1 =	vor.u32 v2, v1;
	_ =	sdelay $0x4  }
0x75: {  	s25 =	sadd.s32 $0x1, s25;
	v1 =	vld.idx.msk [tilespmem:v1+s6+$0x0], $0xffff  }
0x76: {  	p1 =	sne.s32 s25, $0x5  }
.Ltmp5:
0x77: {  	_ = 	snop;
	(pc) =	sbr.rel @!p1 .LBB2_8-.Ltmp5, $3  }
0x78: {  	_ =	sdelay $0x1  }
0x79: {  	v1 =	vsel vm0, $0x41200000, v1  }
0x7a: {  	[tilespmem:s26+$0x1E200] =	vst v1  }
.LBB2_3:
.Ltmp6:
0x7b: {  	(pc) =	sbr.rel @p0 .LBB2_7-.Ltmp6, $4  }
0x7c: {  	s26 =	sshll.u32 s25, $0x4  }
0x7d: {  	v1 =	vmov s26  }
0x7e: {  	v1 =	vshll.u32 v1, $0x7  }
0x7f: {  	v3 =	vimm.s32 $0x64;
	v1 =	vor.u32 v0, v1  }
0x80: {  	v2 =	vld [tilespmem:s26+$0x7800];
	s9 =	simm.s32 $0x3;
	s23 =	simm.s32 $0x0  }
.LBB2_5:
0x81: {  	s8 =	sadd.s32 $0xFFFFFFFD, s9  }
0x82: {  	v4 =	vor.u32 s8, v1  }
0x83: {  	s7 =	sadd.s32 $0xFFFFFFFE, s9  }
0x84: {  	s28 =	sadd.s32 $0xFFFFFFFF, s9;
	v5 =	vor.u32 s7, v1  }
0x85: {  	v6 =	vor.u32 s28, v1;
	_ =	sdelay $0x1  }
0x86: {  	v7 =	vld.idx.msk [tilespmem:v4+s0+$0x0], $0xffff  }
0x87: {  	v8 =	vor.u32 s9, v1  }
0x88: {  	v9 =	vld.idx.msk [tilespmem:v5+s0+$0x0], $0xffff  }
0x89: {  	v10 =	vld.idx.msk [tilespmem:v6+s0+$0x0], $0xffff;
	_ =	sdelay $0x1  }
0x8a: {  	(erf) = vrcp.f32 v7  }
0x8b: {  	v56 =	vld.idx.msk [tilespmem:v8+s0+$0x0], $0xffff  }
0x8c: {  	(erf) = vrcp.f32 v9  }
0x8d: {  	v4 =	vld.idx.msk [tilespmem:v4+s5+$0x0], $0xffff;
	(erf) = vrcp.f32 v10;
	_ =	sdelay $0x1  }
0x8e: {  	v5 =	vld.idx.msk [tilespmem:v5+s5+$0x0], $0xffff  }
0x8f: {  	v6 =	vld.idx.msk [tilespmem:v6+s5+$0x0], $0xffff;
	(erf) = vrcp.f32 v56;
	_ =	sdelay $0x1  }
0x90: {  	v4 =	vmul.f32 v4, v2  }
0x91: {  	v8 =	vld.idx.msk [tilespmem:v8+s5+$0x0], $0xffff;
	v57 =	vpop (erf)  }
0x92: {  	v5 =	vmul.f32 v5, v2;
	v4 =	vmul.f32 v57, v4  }
0x93: {  	v6 =	vmul.f32 v6, v2;
	v58 =	vpop (erf)  }
0x94: {  	v59 =	vmov s8;
	v10 =	vpop (erf);
	vm0 =	vlt.f32 v4, $1.000000000e+00;
	v4 =	vmul.f32 v58, v5  }
0x95: {  	v5 =	vmov s7;
	v6 =	vmul.f32 v10, v6;
	v60 =	vnsel vm0, $0x64, v59  }
0x96: {  	vm13 =	vlt.f32 v4, $1.000000000e+00;
	vm1 =	vlt.s32 v3, v60;
	v4 =	vmul.f32 v8, v2  }
0x97: {  	v62 =	vmov s28;
	v61 =	vpop (erf);
	v3 =	vsel vm1, v3, v60;
	v5 =	vnsel vm13, $0x64, v5  }
0x98: {  	vm14 =	vlt.f32 v6, $1.000000000e+00;
	vm1 =	vlt.s32 v3, v5;
	v4 =	vmul.f32 v61, v4  }
0x99: {  	v3 =	vsel vm1, v3, v5;
	v5 =	vnsel vm14, $0x64, v62  }
0x9a: {  	v63 =	vmov s9;
	vm0 =	vlt.s32 v3, v5;
	vm15 =	vlt.f32 v4, $1.000000000e+00  }
0x9b: {  	v3 =	vsel vm0, v3, v5;
	v4 =	vnsel vm15, $0x64, v63  }
0x9c: {  	vm0 =	vlt.s32 v3, v4  }
0x9d: {  	v3 =	vsel vm0, v3, v4  }
0x9e: {  	v4 =	vxor.u32 $0x80000000, v3  }
0x9f: {  	(xrf0) =	vmax.scan.msk.u32 $0xffff, v4;
	_ =	sdelay $0x5  }
0xa0: {  	v4, _, _ =	vpop (xrf0)  }
0xa1: {  	(v2sf) =	vpush v4, $0xF;
	_ =	sdelay $0xe  }
0xa2: {  	p1 =	sgt.u32 s23, $0x17;
	s7 =	spop (v2sf)  }
0xa3: {  	p2 =	sgt.u32 @!p1 s7, $0x80000063  }
0xa4: {  	p2 =	por p1, !p2  }
.Ltmp7:
0xa5: {  	_ = 	snop;
	(pc) =	sbr.rel @!p2 .LBB2_5-.Ltmp7, $2  }
0xa6: {  	_ =	sdelay $0x2  }
0xa7: {  	s23 =	sadd.s32 $0x1, s23;
	s9 =	sadd.s32 $0x4, s9  }
.Ltmp8:
0xa8: {  	(pc) =	sbr.rel .LBB2_7-.Ltmp8, $2  }
0xa9: {  	_ =	sdelay $0x2  }
0xaa: {  	v3 =	vpsel p1, v3, v3  }
.LBB2_8:
0xab: {  	s25 =	smul.u32 $0x140, s24  }
0xac: {  	s7 =	rddreg [dreg:$0x19]  }
0xad: {  	s7 =	sadd.s32 s25, s7  }
0xae: {  	s8 =	sshll.u32 s7, $0x4  }
0xaf: {  	s26 =	simm.s32 $0x0;
	s9 =	sadd.s32 s1, s8  }
0xb0: {  	[tilespmem:s26], [sflag:$0x1] =	stream.linear.gather [hbm4b:s9+s26], $0x2800, $0x38;
	[tilespmem:$0x1E380] =	vst v63  }
0xb1: {  	s28 =	sadd.s32 s2, s8  }
0xb2: {  	[tilespmem:s0], [sflag:$0x1] =	stream.linear.gather [hbm4b:s28+s26], $0x2800, $0x38;
	[tilespmem:$0x1E380] =	vst v63  }
0xb3: {  	s7 =	sshrl.u32 s7, $0x3;
	s8 =	sadd.s32 s3, s8  }
0xb4: {  	[tilespmem:s6], [sflag:$0x1] =	stream.linear.gather [hbm4b:s8+s26], $0x2800, $0x38;
	[tilespmem:$0x1E380] =	vst v63  }
0xb5: {  	s29 =	simm.s32 $0x7800;
	s7 =	sadd.s32 s4, s7  }
0xb6: {  	[tilespmem:s29], [sflag:$0x1] =	stream.linear.gather [hbm4b:s7+s26], $0x50, $0x38;
	[tilespmem:$0x1E380] =	vst v63  }
0xb7: {  	_ =	swait.ge [sflag:s20], $0x2800  }
0xb8: {  	[sflag:s20] =	ssyncset.done $0x0  }
0xb9: {  	[sflag:s20] =	ssyncadd.s32 $0xFFFFD800  }
0xba: {  	_ =	swait.ge [sflag:s20], $0x2800  }
0xbb: {  	[sflag:s20] =	ssyncset.done $0x0  }
0xbc: {  	[sflag:s20] =	ssyncadd.s32 $0xFFFFD800  }
0xbd: {  	_ =	swait.ge [sflag:s20], $0x2800  }
.Ltmp9:
0xbe: {  	[sflag:s20] =	ssyncset.done $0x0;
	(pc) =	sbr.rel .LBB2_9-.Ltmp9, $4  }
0xbf: {  	[sflag:s20] =	ssyncadd.s32 $0xFFFFD800  }
0xc0: {  	_ =	swait.ge [sflag:s20], $0x50  }
0xc1: {  	[sflag:s20] =	ssyncset.done $0x0  }
0xc2: {  	[sflag:s20] =	ssyncadd.s32 $0xFFFFFFB0  }
.LBB2_13:
0xc3: {  	vm0 =	vgt.s32 v3, $0x63  }
0xc4: {  	v2 =	vsel vm0, $0x63, v3  }
0xc5: {  	v3 =	vand.u32 $0xFFFFFF80, v2  }
0xc6: {  	v2 =	vand.u32 $0x7F, v2;
	v1 =	vadd.s32 v1, v3  }
0xc7: {  	v1 =	vor.u32 v2, v1;
	_ =	sdelay $0x4  }
0xc8: {  	s26 =	sadd.s32 $0x1, s26;
	v1 =	vld.idx.msk [tilespmem:v1+s12+$0x0], $0xffff  }
0xc9: {  	p1 =	sne.s32 s26, $0x5  }
.Ltmp10:
0xca: {  	_ = 	snop;
	(pc) =	sbr.rel @!p1 .LBB2_14-.Ltmp10, $3  }
0xcb: {  	_ =	sdelay $0x1  }
0xcc: {  	v1 =	vsel vm0, $0x41200000, v1  }
0xcd: {  	[tilespmem:s9+$0x1E250] =	vst v1  }
.LBB2_9:
.Ltmp11:
0xce: {  	(pc) =	sbr.rel @p0 .LBB2_13-.Ltmp11, $4  }
0xcf: {  	s9 =	sshll.u32 s26, $0x4  }
0xd0: {  	v1 =	vmov s9  }
0xd1: {  	v1 =	vshll.u32 v1, $0x7  }
0xd2: {  	v3 =	vimm.s32 $0x64;
	v1 =	vor.u32 v0, v1  }
0xd3: {  	v2 =	vld [tilespmem:s9+$0xF080];
	s23 =	simm.s32 $0x3;
	s8 =	simm.s32 $0x0  }
.LBB2_11:
0xd4: {  	s7 =	sadd.s32 $0xFFFFFFFD, s23  }
0xd5: {  	v4 =	vor.u32 s7, v1  }
0xd6: {  	s28 =	sadd.s32 $0xFFFFFFFE, s23  }
0xd7: {  	s29 =	sadd.s32 $0xFFFFFFFF, s23;
	v5 =	vor.u32 s28, v1  }
0xd8: {  	v6 =	vor.u32 s29, v1;
	_ =	sdelay $0x1  }
0xd9: {  	v7 =	vld.idx.msk [tilespmem:v4+s11+$0x0], $0xffff  }
0xda: {  	v8 =	vor.u32 s23, v1  }
0xdb: {  	v9 =	vld.idx.msk [tilespmem:v5+s11+$0x0], $0xffff  }
0xdc: {  	v10 =	vld.idx.msk [tilespmem:v6+s11+$0x0], $0xffff;
	_ =	sdelay $0x1  }
0xdd: {  	(erf) = vrcp.f32 v7  }
0xde: {  	v56 =	vld.idx.msk [tilespmem:v8+s11+$0x0], $0xffff  }
0xdf: {  	(erf) = vrcp.f32 v9  }
0xe0: {  	v4 =	vld.idx.msk [tilespmem:v4+s10+$0x0], $0xffff;
	(erf) = vrcp.f32 v10;
	_ =	sdelay $0x1  }
0xe1: {  	v5 =	vld.idx.msk [tilespmem:v5+s10+$0x0], $0xffff  }
0xe2: {  	v6 =	vld.idx.msk [tilespmem:v6+s10+$0x0], $0xffff;
	(erf) = vrcp.f32 v56;
	_ =	sdelay $0x1  }
0xe3: {  	v4 =	vmul.f32 v4, v2  }
0xe4: {  	v8 =	vld.idx.msk [tilespmem:v8+s10+$0x0], $0xffff;
	v57 =	vpop (erf)  }
0xe5: {  	v5 =	vmul.f32 v5, v2;
	v4 =	vmul.f32 v57, v4  }
0xe6: {  	v6 =	vmul.f32 v6, v2;
	v58 =	vpop (erf)  }
0xe7: {  	v59 =	vmov s7;
	v10 =	vpop (erf);
	vm0 =	vlt.f32 v4, $1.000000000e+00;
	v4 =	vmul.f32 v58, v5  }
0xe8: {  	v5 =	vmov s28;
	v6 =	vmul.f32 v10, v6;
	v60 =	vnsel vm0, $0x64, v59  }
0xe9: {  	vm13 =	vlt.f32 v4, $1.000000000e+00;
	vm1 =	vlt.s32 v3, v60;
	v4 =	vmul.f32 v8, v2  }
0xea: {  	v62 =	vmov s29;
	v61 =	vpop (erf);
	v3 =	vsel vm1, v3, v60;
	v5 =	vnsel vm13, $0x64, v5  }
0xeb: {  	vm14 =	vlt.f32 v6, $1.000000000e+00;
	vm1 =	vlt.s32 v3, v5;
	v4 =	vmul.f32 v61, v4  }
0xec: {  	v3 =	vsel vm1, v3, v5;
	v5 =	vnsel vm14, $0x64, v62  }
0xed: {  	v63 =	vmov s23;
	vm0 =	vlt.s32 v3, v5;
	vm15 =	vlt.f32 v4, $1.000000000e+00  }
0xee: {  	v3 =	vsel vm0, v3, v5;
	v4 =	vnsel vm15, $0x64, v63  }
0xef: {  	vm0 =	vlt.s32 v3, v4  }
0xf0: {  	v3 =	vsel vm0, v3, v4  }
0xf1: {  	v4 =	vxor.u32 $0x80000000, v3  }
0xf2: {  	(xrf0) =	vmax.scan.msk.u32 $0xffff, v4;
	_ =	sdelay $0x5  }
0xf3: {  	v4, _, _ =	vpop (xrf0)  }
0xf4: {  	(v2sf) =	vpush v4, $0xF;
	_ =	sdelay $0xe  }
0xf5: {  	p1 =	sgt.u32 s8, $0x17;
	s7 =	spop (v2sf)  }
0xf6: {  	p2 =	sgt.u32 @!p1 s7, $0x80000063  }
0xf7: {  	p2 =	por p1, !p2  }
.Ltmp12:
0xf8: {  	_ = 	snop;
	(pc) =	sbr.rel @!p2 .LBB2_11-.Ltmp12, $2  }
0xf9: {  	_ =	sdelay $0x2  }
0xfa: {  	s8 =	sadd.s32 $0x1, s8;
	s23 =	sadd.s32 $0x4, s23  }
.Ltmp13:
0xfb: {  	(pc) =	sbr.rel .LBB2_13-.Ltmp13, $2  }
0xfc: {  	_ =	sdelay $0x2  }
0xfd: {  	v3 =	vpsel p1, v3, v3  }
.LBB2_14:
0xfe: {  	p1 =	seq.s32 s24, $0x1E;
	s7 =	rddreg [dreg:$0x1a]  }
0xff: {  	s7 =	sadd.s32 @!p1 s25, s7  }
0x100: {  	s8 =	sshll.u32 @!p1 s7, $0x4  }
0x101: {  	s23 =	simm.s32 @!p1 $0x0;
	s26 =	simm.s32 @!p1 $0x7880;
	s9 =	sadd.s32 @!p1 s1, s8  }
0x102: {  	[tilespmem:s26], [sflag:$0x2] =	stream.linear.gather @!p1 [hbm4b:s9+s23], $0x2800, $0x38;
	[tilespmem:$0x1E380] =	vst v63  }
0x103: {  	s9 =	sadd.s32 @!p1 s2, s8;
	s26 =	simm.s32 @!p1 $0xA080  }
0x104: {  	[tilespmem:s26], [sflag:$0x2] =	stream.linear.gather @!p1 [hbm4b:s9+s23], $0x2800, $0x38;
	[tilespmem:$0x1E380] =	vst v63  }
0x105: {  	s7 =	sshrl.u32 @!p1 s7, $0x3;
	s8 =	sadd.s32 @!p1 s3, s8;
	s9 =	simm.s32 @!p1 $0xC880  }
0x106: {  	[tilespmem:s9], [sflag:$0x2] =	stream.linear.gather @!p1 [hbm4b:s8+s23], $0x2800, $0x38;
	[tilespmem:$0x1E380] =	vst v63  }
0x107: {  	s7 =	sadd.s32 @!p1 s4, s7;
	s8 =	simm.s32 @!p1 $0xF080  }
0x108: {  	[tilespmem:s8], [sflag:$0x2] =	stream.linear.gather @!p1 [hbm4b:s7+s23], $0x50, $0x38;
	[tilespmem:$0x1E380] =	vst v63  }
0x109: {  	_ =	swait.ge [sflag:s21], $0x2800  }
0x10a: {  	[sflag:s21] =	ssyncset.done $0x0  }
0x10b: {  	[sflag:s21] =	ssyncadd.s32 $0xFFFFD800  }
0x10c: {  	_ =	swait.ge [sflag:s21], $0x2800  }
0x10d: {  	[sflag:s21] =	ssyncset.done $0x0  }
0x10e: {  	[sflag:s21] =	ssyncadd.s32 $0xFFFFD800  }
0x10f: {  	_ =	swait.ge [sflag:s21], $0x2800  }
.Ltmp14:
0x110: {  	[sflag:s21] =	ssyncset.done $0x0;
	(pc) =	sbr.rel .LBB2_15-.Ltmp14, $4  }
0x111: {  	[sflag:s21] =	ssyncadd.s32 $0xFFFFD800  }
0x112: {  	_ =	swait.ge [sflag:s21], $0x50  }
0x113: {  	[sflag:s21] =	ssyncset.done $0x0  }
0x114: {  	s26 =	simm.s32 $0x0;
	[sflag:s21] =	ssyncadd.s32 $0xFFFFFFB0  }
.LBB2_19:
0x115: {  	vm0 =	vgt.s32 v3, $0x63  }
0x116: {  	v2 =	vsel vm0, $0x63, v3  }
0x117: {  	v3 =	vand.u32 $0xFFFFFF80, v2  }
0x118: {  	v2 =	vand.u32 $0x7F, v2;
	v1 =	vadd.s32 v1, v3  }
0x119: {  	v1 =	vor.u32 v2, v1;
	_ =	sdelay $0x4  }
0x11a: {  	s26 =	sadd.s32 $0x1, s26;
	v1 =	vld.idx.msk [tilespmem:v1+s15+$0x0], $0xffff  }
0x11b: {  	p2 =	sne.s32 s26, $0x5  }
.Ltmp15:
0x11c: {  	_ = 	snop;
	(pc) =	sbr.rel @!p2 .LBB2_20-.Ltmp15, $3  }
0x11d: {  	_ =	sdelay $0x1  }
0x11e: {  	v1 =	vsel vm0, $0x41200000, v1  }
0x11f: {  	[tilespmem:s9+$0x1E2A0] =	vst v1  }
.LBB2_15:
.Ltmp16:
0x120: {  	(pc) =	sbr.rel @p0 .LBB2_19-.Ltmp16, $4  }
0x121: {  	s9 =	sshll.u32 s26, $0x4  }
0x122: {  	v1 =	vmov s9  }
0x123: {  	v1 =	vshll.u32 v1, $0x7  }
0x124: {  	v3 =	vimm.s32 $0x64;
	v1 =	vor.u32 v0, v1  }
0x125: {  	v2 =	vld [tilespmem:s9+$0x16900];
	s23 =	simm.s32 $0x3;
	s8 =	simm.s32 $0x0  }
.LBB2_17:
0x126: {  	s7 =	sadd.s32 $0xFFFFFFFD, s23  }
0x127: {  	v4 =	vor.u32 s7, v1  }
0x128: {  	s28 =	sadd.s32 $0xFFFFFFFE, s23  }
0x129: {  	s29 =	sadd.s32 $0xFFFFFFFF, s23;
	v5 =	vor.u32 s28, v1  }
0x12a: {  	v6 =	vor.u32 s29, v1;
	_ =	sdelay $0x1  }
0x12b: {  	v7 =	vld.idx.msk [tilespmem:v4+s14+$0x0], $0xffff  }
0x12c: {  	v8 =	vor.u32 s23, v1  }
0x12d: {  	v9 =	vld.idx.msk [tilespmem:v5+s14+$0x0], $0xffff  }
0x12e: {  	v10 =	vld.idx.msk [tilespmem:v6+s14+$0x0], $0xffff;
	_ =	sdelay $0x1  }
0x12f: {  	(erf) = vrcp.f32 v7  }
0x130: {  	v56 =	vld.idx.msk [tilespmem:v8+s14+$0x0], $0xffff  }
0x131: {  	(erf) = vrcp.f32 v9  }
0x132: {  	v4 =	vld.idx.msk [tilespmem:v4+s13+$0x0], $0xffff;
	(erf) = vrcp.f32 v10;
	_ =	sdelay $0x1  }
0x133: {  	v5 =	vld.idx.msk [tilespmem:v5+s13+$0x0], $0xffff  }
0x134: {  	v6 =	vld.idx.msk [tilespmem:v6+s13+$0x0], $0xffff;
	(erf) = vrcp.f32 v56;
	_ =	sdelay $0x1  }
0x135: {  	v4 =	vmul.f32 v4, v2  }
0x136: {  	v8 =	vld.idx.msk [tilespmem:v8+s13+$0x0], $0xffff;
	v57 =	vpop (erf)  }
0x137: {  	v5 =	vmul.f32 v5, v2;
	v4 =	vmul.f32 v57, v4  }
0x138: {  	v6 =	vmul.f32 v6, v2;
	v58 =	vpop (erf)  }
0x139: {  	v59 =	vmov s7;
	v10 =	vpop (erf);
	vm0 =	vlt.f32 v4, $1.000000000e+00;
	v4 =	vmul.f32 v58, v5  }
0x13a: {  	v5 =	vmov s28;
	v6 =	vmul.f32 v10, v6;
	v60 =	vnsel vm0, $0x64, v59  }
0x13b: {  	vm13 =	vlt.f32 v4, $1.000000000e+00;
	vm1 =	vlt.s32 v3, v60;
	v4 =	vmul.f32 v8, v2  }
0x13c: {  	v62 =	vmov s29;
	v61 =	vpop (erf);
	v3 =	vsel vm1, v3, v60;
	v5 =	vnsel vm13, $0x64, v5  }
0x13d: {  	vm14 =	vlt.f32 v6, $1.000000000e+00;
	vm1 =	vlt.s32 v3, v5;
	v4 =	vmul.f32 v61, v4  }
0x13e: {  	v3 =	vsel vm1, v3, v5;
	v5 =	vnsel vm14, $0x64, v62  }
0x13f: {  	v63 =	vmov s23;
	vm0 =	vlt.s32 v3, v5;
	vm15 =	vlt.f32 v4, $1.000000000e+00  }
0x140: {  	v3 =	vsel vm0, v3, v5;
	v4 =	vnsel vm15, $0x64, v63  }
0x141: {  	vm0 =	vlt.s32 v3, v4  }
0x142: {  	v3 =	vsel vm0, v3, v4  }
0x143: {  	v4 =	vxor.u32 $0x80000000, v3  }
0x144: {  	(xrf0) =	vmax.scan.msk.u32 $0xffff, v4;
	_ =	sdelay $0x5  }
0x145: {  	v4, _, _ =	vpop (xrf0)  }
0x146: {  	(v2sf) =	vpush v4, $0xF;
	_ =	sdelay $0xe  }
0x147: {  	p2 =	sgt.u32 s8, $0x17;
	s7 =	spop (v2sf)  }
0x148: {  	p3 =	sgt.u32 @!p2 s7, $0x80000063  }
0x149: {  	p3 =	por p2, !p3  }
.Ltmp17:
0x14a: {  	_ = 	snop;
	(pc) =	sbr.rel @!p3 .LBB2_17-.Ltmp17, $2  }
0x14b: {  	_ =	sdelay $0x2  }
0x14c: {  	s8 =	sadd.s32 $0x1, s8;
	s23 =	sadd.s32 $0x4, s23  }
.Ltmp18:
0x14d: {  	(pc) =	sbr.rel .LBB2_19-.Ltmp18, $2  }
0x14e: {  	_ =	sdelay $0x2  }
0x14f: {  	v3 =	vpsel p2, v3, v3  }
.LBB2_20:
0x150: {  	s7 =	rddreg [dreg:$0x1b]  }
0x151: {  	s7 =	sadd.s32 @!p1 s25, s7  }
0x152: {  	s8 =	sshll.u32 @!p1 s7, $0x4  }
0x153: {  	s23 =	simm.s32 @!p1 $0x0;
	s26 =	simm.s32 @!p1 $0xF100;
	s9 =	sadd.s32 @!p1 s1, s8  }
0x154: {  	[tilespmem:s26], [sflag:$0x3] =	stream.linear.gather @!p1 [hbm4b:s9+s23], $0x2800, $0x38;
	[tilespmem:$0x1E380] =	vst v63  }
0x155: {  	s9 =	sadd.s32 @!p1 s2, s8;
	s26 =	simm.s32 @!p1 $0x11900  }
0x156: {  	[tilespmem:s26], [sflag:$0x3] =	stream.linear.gather @!p1 [hbm4b:s9+s23], $0x2800, $0x38;
	[tilespmem:$0x1E380] =	vst v63  }
0x157: {  	s7 =	sshrl.u32 @!p1 s7, $0x3;
	s8 =	sadd.s32 @!p1 s3, s8;
	s9 =	simm.s32 @!p1 $0x14100  }
0x158: {  	[tilespmem:s9], [sflag:$0x3] =	stream.linear.gather @!p1 [hbm4b:s8+s23], $0x2800, $0x38;
	[tilespmem:$0x1E380] =	vst v63  }
0x159: {  	s7 =	sadd.s32 @!p1 s4, s7;
	s8 =	simm.s32 @!p1 $0x16900  }
0x15a: {  	[tilespmem:s8], [sflag:$0x3] =	stream.linear.gather @!p1 [hbm4b:s7+s23], $0x50, $0x38;
	[tilespmem:$0x1E380] =	vst v63  }
0x15b: {  	_ =	swait.ge [sflag:s22], $0x2800  }
0x15c: {  	[sflag:s22] =	ssyncset.done $0x0  }
0x15d: {  	[sflag:s22] =	ssyncadd.s32 $0xFFFFD800  }
0x15e: {  	_ =	swait.ge [sflag:s22], $0x2800  }
0x15f: {  	[sflag:s22] =	ssyncset.done $0x0  }
0x160: {  	[sflag:s22] =	ssyncadd.s32 $0xFFFFD800  }
0x161: {  	_ =	swait.ge [sflag:s22], $0x2800  }
.Ltmp19:
0x162: {  	[sflag:s22] =	ssyncset.done $0x0;
	(pc) =	sbr.rel .LBB2_21-.Ltmp19, $4  }
0x163: {  	[sflag:s22] =	ssyncadd.s32 $0xFFFFD800  }
0x164: {  	_ =	swait.ge [sflag:s22], $0x50  }
0x165: {  	[sflag:s22] =	ssyncset.done $0x0  }
0x166: {  	s26 =	simm.s32 $0x0;
	[sflag:s22] =	ssyncadd.s32 $0xFFFFFFB0  }
.LBB2_25:
0x167: {  	vm0 =	vgt.s32 v3, $0x63  }
0x168: {  	v2 =	vsel vm0, $0x63, v3  }
0x169: {  	v3 =	vand.u32 $0xFFFFFF80, v2  }
0x16a: {  	v2 =	vand.u32 $0x7F, v2;
	v1 =	vadd.s32 v1, v3  }
0x16b: {  	v1 =	vor.u32 v2, v1;
	_ =	sdelay $0x4  }
0x16c: {  	s26 =	sadd.s32 $0x1, s26;
	v1 =	vld.idx.msk [tilespmem:v1+s18+$0x0], $0xffff  }
0x16d: {  	p2 =	sne.s32 s26, $0x5  }
.Ltmp20:
0x16e: {  	_ = 	snop;
	(pc) =	sbr.rel @!p2 .LBB2_26-.Ltmp20, $3  }
0x16f: {  	_ =	sdelay $0x1  }
0x170: {  	v1 =	vsel vm0, $0x41200000, v1  }
0x171: {  	[tilespmem:s9+$0x1E2F0] =	vst v1  }
.LBB2_21:
.Ltmp21:
0x172: {  	(pc) =	sbr.rel @p0 .LBB2_25-.Ltmp21, $4  }
0x173: {  	s9 =	sshll.u32 s26, $0x4  }
0x174: {  	v1 =	vmov s9  }
0x175: {  	v1 =	vshll.u32 v1, $0x7  }
0x176: {  	v3 =	vimm.s32 $0x64;
	v1 =	vor.u32 v0, v1  }
0x177: {  	v2 =	vld [tilespmem:s9+$0x1E180];
	s23 =	simm.s32 $0x3;
	s8 =	simm.s32 $0x0  }
.LBB2_23:
0x178: {  	s7 =	sadd.s32 $0xFFFFFFFD, s23  }
0x179: {  	v4 =	vor.u32 s7, v1  }
0x17a: {  	s28 =	sadd.s32 $0xFFFFFFFE, s23  }
0x17b: {  	s29 =	sadd.s32 $0xFFFFFFFF, s23;
	v5 =	vor.u32 s28, v1  }
0x17c: {  	v6 =	vor.u32 s29, v1;
	_ =	sdelay $0x1  }
0x17d: {  	v7 =	vld.idx.msk [tilespmem:v4+s17+$0x0], $0xffff  }
0x17e: {  	v8 =	vor.u32 s23, v1  }
0x17f: {  	v9 =	vld.idx.msk [tilespmem:v5+s17+$0x0], $0xffff  }
0x180: {  	v10 =	vld.idx.msk [tilespmem:v6+s17+$0x0], $0xffff;
	_ =	sdelay $0x1  }
0x181: {  	(erf) = vrcp.f32 v7  }
0x182: {  	v56 =	vld.idx.msk [tilespmem:v8+s17+$0x0], $0xffff  }
0x183: {  	(erf) = vrcp.f32 v9  }
0x184: {  	v4 =	vld.idx.msk [tilespmem:v4+s16+$0x0], $0xffff;
	(erf) = vrcp.f32 v10;
	_ =	sdelay $0x1  }
0x185: {  	v5 =	vld.idx.msk [tilespmem:v5+s16+$0x0], $0xffff  }
0x186: {  	v6 =	vld.idx.msk [tilespmem:v6+s16+$0x0], $0xffff;
	(erf) = vrcp.f32 v56;
	_ =	sdelay $0x1  }
0x187: {  	v4 =	vmul.f32 v4, v2  }
0x188: {  	v8 =	vld.idx.msk [tilespmem:v8+s16+$0x0], $0xffff;
	v57 =	vpop (erf)  }
0x189: {  	v5 =	vmul.f32 v5, v2;
	v4 =	vmul.f32 v57, v4  }
0x18a: {  	v6 =	vmul.f32 v6, v2;
	v58 =	vpop (erf)  }
0x18b: {  	v59 =	vmov s7;
	v10 =	vpop (erf);
	vm0 =	vlt.f32 v4, $1.000000000e+00;
	v4 =	vmul.f32 v58, v5  }
0x18c: {  	v5 =	vmov s28;
	v6 =	vmul.f32 v10, v6;
	v60 =	vnsel vm0, $0x64, v59  }
0x18d: {  	vm13 =	vlt.f32 v4, $1.000000000e+00;
	vm1 =	vlt.s32 v3, v60;
	v4 =	vmul.f32 v8, v2  }
0x18e: {  	v62 =	vmov s29;
	v61 =	vpop (erf);
	v3 =	vsel vm1, v3, v60;
	v5 =	vnsel vm13, $0x64, v5  }
0x18f: {  	vm14 =	vlt.f32 v6, $1.000000000e+00;
	vm1 =	vlt.s32 v3, v5;
	v4 =	vmul.f32 v61, v4  }
0x190: {  	v3 =	vsel vm1, v3, v5;
	v5 =	vnsel vm14, $0x64, v62  }
0x191: {  	v63 =	vmov s23;
	vm0 =	vlt.s32 v3, v5;
	vm15 =	vlt.f32 v4, $1.000000000e+00  }
0x192: {  	v3 =	vsel vm0, v3, v5;
	v4 =	vnsel vm15, $0x64, v63  }
0x193: {  	vm0 =	vlt.s32 v3, v4  }
0x194: {  	v3 =	vsel vm0, v3, v4  }
0x195: {  	v4 =	vxor.u32 $0x80000000, v3  }
0x196: {  	(xrf0) =	vmax.scan.msk.u32 $0xffff, v4;
	_ =	sdelay $0x5  }
0x197: {  	v4, _, _ =	vpop (xrf0)  }
0x198: {  	(v2sf) =	vpush v4, $0xF;
	_ =	sdelay $0xe  }
0x199: {  	p2 =	sgt.u32 s8, $0x17;
	s7 =	spop (v2sf)  }
0x19a: {  	p3 =	sgt.u32 @!p2 s7, $0x80000063  }
0x19b: {  	p3 =	por p2, !p3  }
.Ltmp22:
0x19c: {  	_ = 	snop;
	(pc) =	sbr.rel @!p3 .LBB2_23-.Ltmp22, $2  }
0x19d: {  	_ =	sdelay $0x2  }
0x19e: {  	s8 =	sadd.s32 $0x1, s8;
	s23 =	sadd.s32 $0x4, s23  }
.Ltmp23:
0x19f: {  	(pc) =	sbr.rel .LBB2_25-.Ltmp23, $2  }
0x1a0: {  	_ =	sdelay $0x2  }
0x1a1: {  	v3 =	vpsel p2, v3, v3  }
.LBB2_27:
0x1a2: {  	s7 =	simm.s32 $0x5  }
0x1a3: {  	_ =	swait.ge [sflag:s7], $0x140  }
0x1a4: {  	[sflag:s7] =	ssyncset.done $0x0  }
0x1a5: {  	[sflag:s7] =	ssyncadd.s32 $0xFFFFFEC0  }
0x1a6: {  	_ =	swait.ge [sflag:s19], $0x2800  }
0x1a7: {  	[sflag:s19] =	ssyncset.done $0x0  }
0x1a8: {  	[sflag:s19] =	ssyncadd.s32 $0xFFFFD800  }
0x1a9: {  	_ =	swait.ge [sflag:s19], $0x2800  }
0x1aa: {  	[sflag:s19] =	ssyncset.done $0x0  }
0x1ab: {  	[sflag:s19] =	ssyncadd.s32 $0xFFFFD800  }
0x1ac: {  	_ =	swait.ge [sflag:s19], $0x2800  }
.Ltmp24:
0x1ad: {  	[sflag:s19] =	ssyncset.done $0x0;
	(pc) =	sbr.rel .LBB2_28-.Ltmp24, $4  }
0x1ae: {  	[sflag:s19] =	ssyncadd.s32 $0xFFFFD800  }
0x1af: {  	_ =	swait.ge [sflag:s19], $0x50  }
0x1b0: {  	[sflag:s19] =	ssyncset.done $0x0  }
0x1b1: {  	s24 =	simm.s32 $0x0;
	[sflag:s19] =	ssyncadd.s32 $0xFFFFFFB0  }
.LBB2_32:
0x1b2: {  	vm0 =	vgt.s32 v3, $0x63  }
0x1b3: {  	v2 =	vsel vm0, $0x63, v3  }
0x1b4: {  	v3 =	vand.u32 $0xFFFFFF80, v2  }
0x1b5: {  	v2 =	vand.u32 $0x7F, v2;
	v1 =	vadd.s32 v1, v3  }
0x1b6: {  	v1 =	vor.u32 v2, v1;
	_ =	sdelay $0x4  }
0x1b7: {  	s24 =	sadd.s32 $0x1, s24;
	v1 =	vld.idx.msk [tilespmem:v1+s6+$0x0], $0xffff  }
0x1b8: {  	p1 =	sne.s32 s24, $0x5  }
.Ltmp25:
0x1b9: {  	_ = 	snop;
	(pc) =	sbr.rel @!p1 .LBB2_33-.Ltmp25, $3  }
0x1ba: {  	_ =	sdelay $0x1  }
0x1bb: {  	v1 =	vsel vm0, $0x41200000, v1  }
0x1bc: {  	[tilespmem:s9+$0x1E200] =	vst v1  }
.LBB2_28:
.Ltmp26:
0x1bd: {  	(pc) =	sbr.rel @p0 .LBB2_32-.Ltmp26, $4  }
0x1be: {  	s9 =	sshll.u32 s24, $0x4  }
0x1bf: {  	v1 =	vmov s9  }
0x1c0: {  	v1 =	vshll.u32 v1, $0x7  }
0x1c1: {  	v3 =	vimm.s32 $0x64;
	v1 =	vor.u32 v0, v1  }
0x1c2: {  	v2 =	vld [tilespmem:s9+$0x7800];
	s23 =	simm.s32 $0x3;
	s8 =	simm.s32 $0x0  }
.LBB2_30:
0x1c3: {  	s7 =	sadd.s32 $0xFFFFFFFD, s23  }
0x1c4: {  	v4 =	vor.u32 s7, v1  }
0x1c5: {  	s25 =	sadd.s32 $0xFFFFFFFE, s23  }
0x1c6: {  	s26 =	sadd.s32 $0xFFFFFFFF, s23;
	v5 =	vor.u32 s25, v1  }
0x1c7: {  	v6 =	vor.u32 s26, v1;
	_ =	sdelay $0x1  }
0x1c8: {  	v7 =	vld.idx.msk [tilespmem:v4+s0+$0x0], $0xffff  }
0x1c9: {  	v8 =	vor.u32 s23, v1  }
0x1ca: {  	v9 =	vld.idx.msk [tilespmem:v5+s0+$0x0], $0xffff  }
0x1cb: {  	v10 =	vld.idx.msk [tilespmem:v6+s0+$0x0], $0xffff;
	_ =	sdelay $0x1  }
0x1cc: {  	(erf) = vrcp.f32 v7  }
0x1cd: {  	v56 =	vld.idx.msk [tilespmem:v8+s0+$0x0], $0xffff  }
0x1ce: {  	(erf) = vrcp.f32 v9  }
0x1cf: {  	v4 =	vld.idx.msk [tilespmem:v4+s5+$0x0], $0xffff;
	(erf) = vrcp.f32 v10;
	_ =	sdelay $0x1  }
0x1d0: {  	v5 =	vld.idx.msk [tilespmem:v5+s5+$0x0], $0xffff  }
0x1d1: {  	v6 =	vld.idx.msk [tilespmem:v6+s5+$0x0], $0xffff;
	(erf) = vrcp.f32 v56;
	_ =	sdelay $0x1  }
0x1d2: {  	v4 =	vmul.f32 v4, v2  }
0x1d3: {  	v8 =	vld.idx.msk [tilespmem:v8+s5+$0x0], $0xffff;
	v57 =	vpop (erf)  }
0x1d4: {  	v5 =	vmul.f32 v5, v2;
	v4 =	vmul.f32 v57, v4  }
0x1d5: {  	v6 =	vmul.f32 v6, v2;
	v58 =	vpop (erf)  }
0x1d6: {  	v59 =	vmov s7;
	v10 =	vpop (erf);
	vm0 =	vlt.f32 v4, $1.000000000e+00;
	v4 =	vmul.f32 v58, v5  }
0x1d7: {  	v5 =	vmov s25;
	v6 =	vmul.f32 v10, v6;
	v60 =	vnsel vm0, $0x64, v59  }
0x1d8: {  	vm13 =	vlt.f32 v4, $1.000000000e+00;
	vm1 =	vlt.s32 v3, v60;
	v4 =	vmul.f32 v8, v2  }
0x1d9: {  	v62 =	vmov s26;
	v61 =	vpop (erf);
	v3 =	vsel vm1, v3, v60;
	v5 =	vnsel vm13, $0x64, v5  }
0x1da: {  	vm14 =	vlt.f32 v6, $1.000000000e+00;
	vm1 =	vlt.s32 v3, v5;
	v4 =	vmul.f32 v61, v4  }
0x1db: {  	v3 =	vsel vm1, v3, v5;
	v5 =	vnsel vm14, $0x64, v62  }
0x1dc: {  	v63 =	vmov s23;
	vm0 =	vlt.s32 v3, v5;
	vm15 =	vlt.f32 v4, $1.000000000e+00  }
0x1dd: {  	v3 =	vsel vm0, v3, v5;
	v4 =	vnsel vm15, $0x64, v63  }
0x1de: {  	vm0 =	vlt.s32 v3, v4  }
0x1df: {  	v3 =	vsel vm0, v3, v4  }
0x1e0: {  	v4 =	vxor.u32 $0x80000000, v3  }
0x1e1: {  	(xrf0) =	vmax.scan.msk.u32 $0xffff, v4;
	_ =	sdelay $0x5  }
0x1e2: {  	v4, _, _ =	vpop (xrf0)  }
0x1e3: {  	(v2sf) =	vpush v4, $0xF;
	_ =	sdelay $0xe  }
0x1e4: {  	p1 =	sgt.u32 s8, $0x17;
	s7 =	spop (v2sf)  }
0x1e5: {  	p2 =	sgt.u32 @!p1 s7, $0x80000063  }
0x1e6: {  	p2 =	por p1, !p2  }
.Ltmp27:
0x1e7: {  	_ = 	snop;
	(pc) =	sbr.rel @!p2 .LBB2_30-.Ltmp27, $2  }
0x1e8: {  	_ =	sdelay $0x2  }
0x1e9: {  	s8 =	sadd.s32 $0x1, s8;
	s23 =	sadd.s32 $0x4, s23  }
.Ltmp28:
0x1ea: {  	(pc) =	sbr.rel .LBB2_32-.Ltmp28, $2  }
0x1eb: {  	_ =	sdelay $0x2  }
0x1ec: {  	v3 =	vpsel p1, v3, v3  }
.LBB2_34:
0x1ed: {  	_ =	sfence.sel $0x180000  }
0x1ee: {  	[bflag:$0x0] =	sbarrier.arrive $0xFFFF  }
0x1ef: {  	_ =	strace $0x90000047  }
0x1f0: {  	s0 =	stileid.u32;
	[bflag:$0x2] =	sbarrier.arrive $0xFFFF  }
0x1f1: {  	p0 =	sne.s32 s0, $0x0;
	s0 =	rddreg [dreg:$0x5]  }
0x1f2: {  	s0 =	sadd.s32 @!p0 $0x100000, s0  }
0x1f3: {  	[sflag:s0] =	ssyncadd.tile.s32 @!p0 $0x1;
	_ =	shalt  }
.Lfunc_end2:
_tile_overlayer_lowered:
.L_overlay_start_2:
0x1f4: {  	(tag) =	ssettag $0x2  }
0x1f5: {  	s0 =	rddreg [dreg:$0x0];
	s2 =	stileid.u32  }
0x1f6: {  	s1 =	rddreg [dreg:$0x1];
	p0 =	sne.s32 s2, $0x0  }
0x1f7: {  	s3 =	rddreg [dreg:$0x2];
	[bflag:$0x3] =	sbarrier.arrive $0xFFFF;
	s2 =	simm.s32 @!p0 $0x1C06  }
0x1f8: {  	[timem:s3], [sflag:s2] =	dma.local @!p0 [hbm:s0], s1  }
0x1f9: {  	s0 =	simm.s32 @!p0 $0x6  }
0x1fa: {  	_ =	swait.ge @!p0 [sflag:s0], s1  }
0x1fb: {  	s1 =	ssub.s32 @!p0 $0x0, s1;
	[sflag:s0] =	ssyncset.done @!p0 $0x0  }
0x1fc: {  	[sflag:s0] =	ssyncadd.s32 @!p0 s1  }
0x1fd: {  	[bflag:$0x3] =	sbarrier.arrive $0xFFFF  }
0x1fe: {  	_ =	shalt  }

</sc_bundles>
